<compile_context>
chip_gen: v7x
topology: tpu7x:2x2x1
jax: 0.10.2.dev20260603
libtpu: 0.0.44.dev20260713+nightly
codegen_flags: <defaults>
</compile_context>

<pallas_src>
import jax
import jax.numpy as jnp
from jax import lax
from jax.experimental import pallas as pl
from jax.experimental.pallas import tpu as pltpu
from jax.experimental.pallas import tpu_sc as plsc

N = 8192
D = 2048
E = 16
BN = 1024

NC = 2
NS = 16
NW = NC * NS
RW = N // NW
G = RW // 16


def _dense_block(h_ref, ww_ref, wn_ref, bw_ref, bn_ref, eps_ref,
                 noisyt_ref, fullt_ref):
    h = h_ref[...]
    dims = (((1,), (1,)), ((), ()))
    logits = lax.dot_general(h, ww_ref[...], dims,
                             preferred_element_type=jnp.float32) + bw_ref[...]
    zn = lax.dot_general(h, wn_ref[...], dims,
                         preferred_element_type=jnp.float32) + bn_ref[...]
    noisy = logits + eps_ref[...] * jax.nn.softplus(zn)
    noisyt_ref[...] = noisy.T
    m = jnp.max(noisy, axis=-1, keepdims=True)
    e = jnp.exp(noisy - m)
    fullt_ref[...] = (e / jnp.sum(e, axis=-1, keepdims=True)).T


def _route_sc(noisyt_hbm, probst_hbm, ixt_hbm, noisy_v, probs_v, ix_v):
    wid = lax.axis_index("s") * NC + lax.axis_index("c")
    base = wid * RW
    pltpu.sync_copy(noisyt_hbm.at[:, pl.ds(base, RW)], noisy_v)

    jvecs = [jnp.full((16,), j, jnp.int32) for j in range(E)]
    neg_inf = jnp.full((16,), -jnp.inf, jnp.float32)
    zeros_f = jnp.zeros((16,), jnp.float32)

    def group(g, _):
        c = g * 16
        v = [noisy_v[j, pl.ds(c, 16)] for j in range(E)]

        m1 = v[0]
        for j in range(1, E):
            m1 = jnp.maximum(m1, v[j])
        i1 = jnp.full((16,), E, jnp.int32)
        for j in range(E):
            i1 = jnp.minimum(i1, jnp.where(v[j] == m1, jvecs[j], E))

        m2 = neg_inf
        for j in range(E):
            m2 = jnp.maximum(m2, jnp.where(i1 == jvecs[j], neg_inf, v[j]))
        i2 = jnp.full((16,), E, jnp.int32)
        for j in range(E):
            hit = (v[j] == m2) & (i1 != jvecs[j])
            i2 = jnp.minimum(i2, jnp.where(hit, jvecs[j], E))

        t = jnp.exp(m2 - m1)
        r = 1.0 / (1.0 + t)
        p1 = r
        p2 = t * r
        for j in range(E):
            probs_v[j, pl.ds(c, 16)] = jnp.where(
                i1 == jvecs[j], p1, jnp.where(i2 == jvecs[j], p2, zeros_f))
        ix_v[0, pl.ds(c, 16)] = i1
        ix_v[1, pl.ds(c, 16)] = i2
        return ()

    lax.fori_loop(0, G, group, ())

    pltpu.sync_copy(probs_v, probst_hbm.at[:, pl.ds(base, RW)])
    pltpu.sync_copy(ix_v, ixt_hbm.at[:, pl.ds(base, RW)])


@jax.jit
def kernel(h, Ww, bw, Wn, bn, eps):
    bw2 = bw.reshape(1, E)
    bn2 = bn.reshape(1, E)

    noisyt, fullt = pl.pallas_call(
        _dense_block,
        grid=(N // BN,),
        in_specs=[
            pl.BlockSpec((BN, D), lambda i: (i, 0)),
            pl.BlockSpec((E, D), lambda i: (0, 0)),
            pl.BlockSpec((E, D), lambda i: (0, 0)),
            pl.BlockSpec((1, E), lambda i: (0, 0)),
            pl.BlockSpec((1, E), lambda i: (0, 0)),
            pl.BlockSpec((BN, E), lambda i: (i, 0)),
        ],
        out_specs=[
            pl.BlockSpec((E, BN), lambda i: (0, i)),
            pl.BlockSpec((E, BN), lambda i: (0, i)),
        ],
        out_shape=[
            jax.ShapeDtypeStruct((E, N), jnp.float32),
            jax.ShapeDtypeStruct((E, N), jnp.float32),
        ],
        compiler_params=pltpu.CompilerParams(
            dimension_semantics=("arbitrary",)),
    )(h, Ww, Wn, bw2, bn2, eps)

    route = pl.kernel(
        _route_sc,
        mesh=plsc.VectorSubcoreMesh(core_axis_name="c", subcore_axis_name="s"),
        compiler_params=pltpu.CompilerParams(needs_layout_passes=False),
        out_type=[
            jax.ShapeDtypeStruct((E, N), jnp.float32),
            jax.ShapeDtypeStruct((2, N), jnp.int32),
        ],
        scratch_types=[
            pltpu.VMEM((E, RW), jnp.float32),
            pltpu.VMEM((E, RW), jnp.float32),
            pltpu.VMEM((2, RW), jnp.int32),
        ],
    )
    probst, ixt = route(noisyt)
    return probst.T, ixt.T, fullt.T

# --- scband reference (transcript-rebuilt; emitter-appended) ---
"""Pipeline reference for scband-noisy-topk-router-71528385347886 (READ-ONLY COPY).

The authoritative reference and input builder live on the scoring server;
editing this copy changes nothing except your own understanding.
"""

import jax, jax.numpy as jnp
import numpy as np

N = 8192
D = 2048
E = 16
TOPK = 2


def setup_inputs(seed: int = 0) -> dict:
    key = jax.random.key(seed)
    k1, k2, k3, k4, k5, k6 = jax.random.split(key, 6)
    h = jax.random.normal(k1, (N, D), dtype=jnp.float32)
    s = 1.0 / np.sqrt(D)
    Ww = jax.random.uniform(k2, (E, D), dtype=jnp.float32, minval=-s, maxval=s)
    bw = jax.random.uniform(k3, (E,), dtype=jnp.float32, minval=-s, maxval=s)
    Wn = jax.random.uniform(k4, (E, D), dtype=jnp.float32, minval=-s, maxval=s)
    bn = jax.random.uniform(k5, (E,), dtype=jnp.float32, minval=-s, maxval=s)
    # eps replaces torch.randn_like(logits): fixed standard-normal noise tensor
    eps = jax.random.normal(k6, (N, E), dtype=jnp.float32)
    return {"h": h, "Ww": Ww, "bw": bw, "Wn": Wn, "bn": bn, "eps": eps}


def reference(h, Ww, bw, Wn, bn, eps):
    logits = h @ Ww.T + bw
    noise = eps * jax.nn.softplus(h @ Wn.T + bn)
    noisy = logits + noise
    full = jax.nn.softmax(noisy, axis=-1)
    topk_vals, ix = jax.lax.top_k(noisy, TOPK)
    sparse = jnp.full_like(noisy, -jnp.inf)
    rows = jnp.arange(noisy.shape[0])[:, None]
    sparse = sparse.at[rows, ix].set(topk_vals)
    probs = jax.nn.softmax(sparse, axis=-1)
    return (probs, ix, full)

if __name__ == "__main__":
    import jax
    _d = setup_inputs()
    print(jax.jit(kernel)(*tuple(_d.values())))

</pallas_src>

<mosaic_0001>
#map = affine_map<(d0, d1) -> (0, 0)>
module attributes {stable_mosaic.version = 14 : i64} {
  func.func @_route_sc(%arg0: i32, %arg1: i32, %arg2: memref<16x8192xf32, #tpu.memory_space<hbm>>, %arg3: memref<16x8192xf32, #tpu.memory_space<hbm>>, %arg4: memref<2x8192xi32, #tpu.memory_space<hbm>>, %arg5: memref<16x256xf32, #tpu.memory_space<vmem>>, %arg6: memref<16x256xf32, #tpu.memory_space<vmem>>, %arg7: memref<2x256xi32, #tpu.memory_space<vmem>>) attributes {dimension_semantics = [#tpu.dimension_semantics<core_parallel>, #tpu.dimension_semantics<subcore_parallel>], iteration_bounds = array<i64: 2, 16>, scalar_prefetch = 0 : i64, scratch_operands = 3 : i64, tpu.core_type = #tpu.core_type<sc_vector_subcore>, window_params = [{transform_indices = #map}, {transform_indices = #map}, {transform_indices = #map}]} {
    %mul3A = arith.constant 2 : i32
    %mul3A_0 = arith.muli %arg1, %mul3A : i32
    %add3A = arith.addi %mul3A_0, %arg0 : i32
    %mul3A_1 = arith.constant 256 : i32
    %mul3A_2 = arith.muli %add3A, %mul3A_1 : i32
    "tpu.region"() ({
      %run_scoped3A = tpu.sem_alloc : memref<!tpu.dma_semaphore, #tpu.memory_space<semaphore_mem>>
      %dma_start3A = arith.constant 0 : i32
      %dma_start3A_42 = tpu.memref_slice %arg2[%dma_start3A, %mul3A_2] : memref<16x8192xf32, #tpu.memory_space<hbm>> -> memref<16x256xf32, #tpu.memory_space<hbm>>
      %dma_start3A_43 = arith.constant 0 : i32
      %dma_start3A_44 = tpu.memref_slice %arg2[%dma_start3A_43, %mul3A_2] : memref<16x8192xf32, #tpu.memory_space<hbm>> -> memref<16x256xf32, #tpu.memory_space<hbm>>
      tpu.enqueue_dma source(%dma_start3A_44 : memref<16x256xf32, #tpu.memory_space<hbm>>) target(%arg5 : memref<16x256xf32, #tpu.memory_space<vmem>>) target_semaphore(%run_scoped3A : memref<!tpu.dma_semaphore, #tpu.memory_space<semaphore_mem>>)
      %dma_wait3A = arith.constant 0 : i32
      %dma_wait3A_45 = tpu.memref_slice %arg2[%dma_wait3A, %mul3A_2] : memref<16x8192xf32, #tpu.memory_space<hbm>> -> memref<16x256xf32, #tpu.memory_space<hbm>>
      %dma_wait3A_46 = arith.constant 0 : i32
      %dma_wait3A_47 = tpu.memref_slice %arg2[%dma_wait3A_46, %mul3A_2] : memref<16x8192xf32, #tpu.memory_space<hbm>> -> memref<16x256xf32, #tpu.memory_space<hbm>>
      tpu.wait_dma2 semaphore(%run_scoped3A : memref<!tpu.dma_semaphore, #tpu.memory_space<semaphore_mem>>) src(%dma_wait3A_47 : memref<16x256xf32, #tpu.memory_space<hbm>>) dst(%arg5 : memref<16x256xf32, #tpu.memory_space<vmem>>)
      tpu.yield
    }) : () -> ()
    %broadcast_in_dim3A = arith.constant 0 : i32
    %broadcast_in_dim3A_3 = vector.broadcast %broadcast_in_dim3A : i32 to vector<16xi32>
    %broadcast_in_dim3A_4 = arith.constant 1 : i32
    %broadcast_in_dim3A_5 = vector.broadcast %broadcast_in_dim3A_4 : i32 to vector<16xi32>
    %broadcast_in_dim3A_6 = arith.constant 2 : i32
    %broadcast_in_dim3A_7 = vector.broadcast %broadcast_in_dim3A_6 : i32 to vector<16xi32>
    %broadcast_in_dim3A_8 = arith.constant 3 : i32
    %broadcast_in_dim3A_9 = vector.broadcast %broadcast_in_dim3A_8 : i32 to vector<16xi32>
    %broadcast_in_dim3A_10 = arith.constant 4 : i32
    %broadcast_in_dim3A_11 = vector.broadcast %broadcast_in_dim3A_10 : i32 to vector<16xi32>
    %broadcast_in_dim3A_12 = arith.constant 5 : i32
    %broadcast_in_dim3A_13 = vector.broadcast %broadcast_in_dim3A_12 : i32 to vector<16xi32>
    %broadcast_in_dim3A_14 = arith.constant 6 : i32
    %broadcast_in_dim3A_15 = vector.broadcast %broadcast_in_dim3A_14 : i32 to vector<16xi32>
    %broadcast_in_dim3A_16 = arith.constant 7 : i32
    %broadcast_in_dim3A_17 = vector.broadcast %broadcast_in_dim3A_16 : i32 to vector<16xi32>
    %broadcast_in_dim3A_18 = arith.constant 8 : i32
    %broadcast_in_dim3A_19 = vector.broadcast %broadcast_in_dim3A_18 : i32 to vector<16xi32>
    %broadcast_in_dim3A_20 = arith.constant 9 : i32
    %broadcast_in_dim3A_21 = vector.broadcast %broadcast_in_dim3A_20 : i32 to vector<16xi32>
    %broadcast_in_dim3A_22 = arith.constant 10 : i32
    %broadcast_in_dim3A_23 = vector.broadcast %broadcast_in_dim3A_22 : i32 to vector<16xi32>
    %broadcast_in_dim3A_24 = arith.constant 11 : i32
    %broadcast_in_dim3A_25 = vector.broadcast %broadcast_in_dim3A_24 : i32 to vector<16xi32>
    %broadcast_in_dim3A_26 = arith.constant 12 : i32
    %broadcast_in_dim3A_27 = vector.broadcast %broadcast_in_dim3A_26 : i32 to vector<16xi32>
    %broadcast_in_dim3A_28 = arith.constant 13 : i32
    %broadcast_in_dim3A_29 = vector.broadcast %broadcast_in_dim3A_28 : i32 to vector<16xi32>
    %broadcast_in_dim3A_30 = arith.constant 14 : i32
    %broadcast_in_dim3A_31 = vector.broadcast %broadcast_in_dim3A_30 : i32 to vector<16xi32>
    %broadcast_in_dim3A_32 = arith.constant 15 : i32
    %broadcast_in_dim3A_33 = vector.broadcast %broadcast_in_dim3A_32 : i32 to vector<16xi32>
    %broadcast_in_dim3A_34 = arith.constant 0xFF800000 : f32
    %broadcast_in_dim3A_35 = vector.broadcast %broadcast_in_dim3A_34 : f32 to vector<16xf32>
    %broadcast_in_dim3A_36 = arith.constant 0.000000e+00 : f32
    %broadcast_in_dim3A_37 = vector.broadcast %broadcast_in_dim3A_36 : f32 to vector<16xf32>
    %scan3A = arith.constant 0 : i32
    %scan3A_38 = arith.constant 16 : i32
    %scan3A_39 = arith.addi %scan3A, %scan3A_38 : i32
    %scan3A_40 = arith.constant 1 : i32
    scf.for %scan3A_42 = %scan3A to %scan3A_39 step %scan3A_40  : i32 {
      %mul3A_43 = arith.constant 16 : i32
      %mul3A_44 = arith.muli %scan3A_42, %mul3A_43 : i32
      %get3A = arith.constant 0 : i32
      %get3A_45 = arith.index_cast %get3A : i32 to index
      %get3A_46 = arith.index_cast %mul3A_44 : i32 to index
      %get3A_47 = tpu.vector_load %arg5[%get3A_45, %get3A_46] {strides = array<i32>} : memref<16x256xf32, #tpu.memory_space<vmem>>, vector<16xf32>,
      %get3A_48 = arith.constant 1 : i32
      %get3A_49 = arith.index_cast %get3A_48 : i32 to index
      %get3A_50 = arith.index_cast %mul3A_44 : i32 to index
      %get3A_51 = tpu.vector_load %arg5[%get3A_49, %get3A_50] {strides = array<i32>} : memref<16x256xf32, #tpu.memory_space<vmem>>, vector<16xf32>,
      %get3A_52 = arith.constant 2 : i32
      %get3A_53 = arith.index_cast %get3A_52 : i32 to index
      %get3A_54 = arith.index_cast %mul3A_44 : i32 to index
      %get3A_55 = tpu.vector_load %arg5[%get3A_53, %get3A_54] {strides = array<i32>} : memref<16x256xf32, #tpu.memory_space<vmem>>, vector<16xf32>,
      %get3A_56 = arith.constant 3 : i32
      %get3A_57 = arith.index_cast %get3A_56 : i32 to index
      %get3A_58 = arith.index_cast %mul3A_44 : i32 to index
      %get3A_59 = tpu.vector_load %arg5[%get3A_57, %get3A_58] {strides = array<i32>} : memref<16x256xf32, #tpu.memory_space<vmem>>, vector<16xf32>,
      %get3A_60 = arith.constant 4 : i32
      %get3A_61 = arith.index_cast %get3A_60 : i32 to index
      %get3A_62 = arith.index_cast %mul3A_44 : i32 to index
      %get3A_63 = tpu.vector_load %arg5[%get3A_61, %get3A_62] {strides = array<i32>} : memref<16x256xf32, #tpu.memory_space<vmem>>, vector<16xf32>,
      %get3A_64 = arith.constant 5 : i32
      %get3A_65 = arith.index_cast %get3A_64 : i32 to index
      %get3A_66 = arith.index_cast %mul3A_44 : i32 to index
      %get3A_67 = tpu.vector_load %arg5[%get3A_65, %get3A_66] {strides = array<i32>} : memref<16x256xf32, #tpu.memory_space<vmem>>, vector<16xf32>,
      %get3A_68 = arith.constant 6 : i32
      %get3A_69 = arith.index_cast %get3A_68 : i32 to index
      %get3A_70 = arith.index_cast %mul3A_44 : i32 to index
      %get3A_71 = tpu.vector_load %arg5[%get3A_69, %get3A_70] {strides = array<i32>} : memref<16x256xf32, #tpu.memory_space<vmem>>, vector<16xf32>,
      %get3A_72 = arith.constant 7 : i32
      %get3A_73 = arith.index_cast %get3A_72 : i32 to index
      %get3A_74 = arith.index_cast %mul3A_44 : i32 to index
      %get3A_75 = tpu.vector_load %arg5[%get3A_73, %get3A_74] {strides = array<i32>} : memref<16x256xf32, #tpu.memory_space<vmem>>, vector<16xf32>,
      %get3A_76 = arith.constant 8 : i32
      %get3A_77 = arith.index_cast %get3A_76 : i32 to index
      %get3A_78 = arith.index_cast %mul3A_44 : i32 to index
      %get3A_79 = tpu.vector_load %arg5[%get3A_77, %get3A_78] {strides = array<i32>} : memref<16x256xf32, #tpu.memory_space<vmem>>, vector<16xf32>,
      %get3A_80 = arith.constant 9 : i32
      %get3A_81 = arith.index_cast %get3A_80 : i32 to index
      %get3A_82 = arith.index_cast %mul3A_44 : i32 to index
      %get3A_83 = tpu.vector_load %arg5[%get3A_81, %get3A_82] {strides = array<i32>} : memref<16x256xf32, #tpu.memory_space<vmem>>, vector<16xf32>,
      %get3A_84 = arith.constant 10 : i32
      %get3A_85 = arith.index_cast %get3A_84 : i32 to index
      %get3A_86 = arith.index_cast %mul3A_44 : i32 to index
      %get3A_87 = tpu.vector_load %arg5[%get3A_85, %get3A_86] {strides = array<i32>} : memref<16x256xf32, #tpu.memory_space<vmem>>, vector<16xf32>,
      %get3A_88 = arith.constant 11 : i32
      %get3A_89 = arith.index_cast %get3A_88 : i32 to index
      %get3A_90 = arith.index_cast %mul3A_44 : i32 to index
      %get3A_91 = tpu.vector_load %arg5[%get3A_89, %get3A_90] {strides = array<i32>} : memref<16x256xf32, #tpu.memory_space<vmem>>, vector<16xf32>,
      %get3A_92 = arith.constant 12 : i32
      %get3A_93 = arith.index_cast %get3A_92 : i32 to index
      %get3A_94 = arith.index_cast %mul3A_44 : i32 to index
      %get3A_95 = tpu.vector_load %arg5[%get3A_93, %get3A_94] {strides = array<i32>} : memref<16x256xf32, #tpu.memory_space<vmem>>, vector<16xf32>,
      %get3A_96 = arith.constant 13 : i32
      %get3A_97 = arith.index_cast %get3A_96 : i32 to index
      %get3A_98 = arith.index_cast %mul3A_44 : i32 to index
      %get3A_99 = tpu.vector_load %arg5[%get3A_97, %get3A_98] {strides = array<i32>} : memref<16x256xf32, #tpu.memory_space<vmem>>, vector<16xf32>,
      %get3A_100 = arith.constant 14 : i32
      %get3A_101 = arith.index_cast %get3A_100 : i32 to index
      %get3A_102 = arith.index_cast %mul3A_44 : i32 to index
      %get3A_103 = tpu.vector_load %arg5[%get3A_101, %get3A_102] {strides = array<i32>} : memref<16x256xf32, #tpu.memory_space<vmem>>, vector<16xf32>,
      %get3A_104 = arith.constant 15 : i32
      %get3A_105 = arith.index_cast %get3A_104 : i32 to index
      %get3A_106 = arith.index_cast %mul3A_44 : i32 to index
      %get3A_107 = tpu.vector_load %arg5[%get3A_105, %get3A_106] {strides = array<i32>} : memref<16x256xf32, #tpu.memory_space<vmem>>, vector<16xf32>,
      %max3A = arith.maximumf %get3A_47, %get3A_51 : vector<16xf32>
      %max3A_108 = arith.maximumf %max3A, %get3A_55 : vector<16xf32>
      %max3A_109 = arith.maximumf %max3A_108, %get3A_59 : vector<16xf32>
      %max3A_110 = arith.maximumf %max3A_109, %get3A_63 : vector<16xf32>
      %max3A_111 = arith.maximumf %max3A_110, %get3A_67 : vector<16xf32>
      %max3A_112 = arith.maximumf %max3A_111, %get3A_71 : vector<16xf32>
      %max3A_113 = arith.maximumf %max3A_112, %get3A_75 : vector<16xf32>
      %max3A_114 = arith.maximumf %max3A_113, %get3A_79 : vector<16xf32>
      %max3A_115 = arith.maximumf %max3A_114, %get3A_83 : vector<16xf32>
      %max3A_116 = arith.maximumf %max3A_115, %get3A_87 : vector<16xf32>
      %max3A_117 = arith.maximumf %max3A_116, %get3A_91 : vector<16xf32>
      %max3A_118 = arith.maximumf %max3A_117, %get3A_95 : vector<16xf32>
      %max3A_119 = arith.maximumf %max3A_118, %get3A_99 : vector<16xf32>
      %max3A_120 = arith.maximumf %max3A_119, %get3A_103 : vector<16xf32>
      %max3A_121 = arith.maximumf %max3A_120, %get3A_107 : vector<16xf32>
      %broadcast_in_dim3A_122 = arith.constant 16 : i32
      %broadcast_in_dim3A_123 = vector.broadcast %broadcast_in_dim3A_122 : i32 to vector<16xi32>
      %eq3A = arith.cmpf oeq, %get3A_47, %max3A_121 : vector<16xf32>
      %jit3A = arith.constant 16 : i32
      %broadcast_in_dim3A_124 = vector.broadcast %jit3A : i32 to vector<16xi32>
      %select_n3A = arith.select %eq3A, %broadcast_in_dim3A_3, %broadcast_in_dim3A_124 : vector<16xi1>, vector<16xi32>
      %min3A = arith.minsi %broadcast_in_dim3A_123, %select_n3A : vector<16xi32>
      %eq3A_125 = arith.cmpf oeq, %get3A_51, %max3A_121 : vector<16xf32>
      %jit3A_126 = arith.constant 16 : i32
      %broadcast_in_dim3A_127 = vector.broadcast %jit3A_126 : i32 to vector<16xi32>
      %select_n3A_128 = arith.select %eq3A_125, %broadcast_in_dim3A_5, %broadcast_in_dim3A_127 : vector<16xi1>, vector<16xi32>
      %min3A_129 = arith.minsi %min3A, %select_n3A_128 : vector<16xi32>
      %eq3A_130 = arith.cmpf oeq, %get3A_55, %max3A_121 : vector<16xf32>
      %jit3A_131 = arith.constant 16 : i32
      %broadcast_in_dim3A_132 = vector.broadcast %jit3A_131 : i32 to vector<16xi32>
      %select_n3A_133 = arith.select %eq3A_130, %broadcast_in_dim3A_7, %broadcast_in_dim3A_132 : vector<16xi1>, vector<16xi32>
      %min3A_134 = arith.minsi %min3A_129, %select_n3A_133 : vector<16xi32>
      %eq3A_135 = arith.cmpf oeq, %get3A_59, %max3A_121 : vector<16xf32>
      %jit3A_136 = arith.constant 16 : i32
      %broadcast_in_dim3A_137 = vector.broadcast %jit3A_136 : i32 to vector<16xi32>
      %select_n3A_138 = arith.select %eq3A_135, %broadcast_in_dim3A_9, %broadcast_in_dim3A_137 : vector<16xi1>, vector<16xi32>
      %min3A_139 = arith.minsi %min3A_134, %select_n3A_138 : vector<16xi32>
      %eq3A_140 = arith.cmpf oeq, %get3A_63, %max3A_121 : vector<16xf32>
      %jit3A_141 = arith.constant 16 : i32
      %broadcast_in_dim3A_142 = vector.broadcast %jit3A_141 : i32 to vector<16xi32>
      %select_n3A_143 = arith.select %eq3A_140, %broadcast_in_dim3A_11, %broadcast_in_dim3A_142 : vector<16xi1>, vector<16xi32>
      %min3A_144 = arith.minsi %min3A_139, %select_n3A_143 : vector<16xi32>
      %eq3A_145 = arith.cmpf oeq, %get3A_67, %max3A_121 : vector<16xf32>
      %jit3A_146 = arith.constant 16 : i32
      %broadcast_in_dim3A_147 = vector.broadcast %jit3A_146 : i32 to vector<16xi32>
      %select_n3A_148 = arith.select %eq3A_145, %broadcast_in_dim3A_13, %broadcast_in_dim3A_147 : vector<16xi1>, vector<16xi32>
      %min3A_149 = arith.minsi %min3A_144, %select_n3A_148 : vector<16xi32>
      %eq3A_150 = arith.cmpf oeq, %get3A_71, %max3A_121 : vector<16xf32>
      %jit3A_151 = arith.constant 16 : i32
      %broadcast_in_dim3A_152 = vector.broadcast %jit3A_151 : i32 to vector<16xi32>
      %select_n3A_153 = arith.select %eq3A_150, %broadcast_in_dim3A_15, %broadcast_in_dim3A_152 : vector<16xi1>, vector<16xi32>
      %min3A_154 = arith.minsi %min3A_149, %select_n3A_153 : vector<16xi32>
      %eq3A_155 = arith.cmpf oeq, %get3A_75, %max3A_121 : vector<16xf32>
      %jit3A_156 = arith.constant 16 : i32
      %broadcast_in_dim3A_157 = vector.broadcast %jit3A_156 : i32 to vector<16xi32>
      %select_n3A_158 = arith.select %eq3A_155, %broadcast_in_dim3A_17, %broadcast_in_dim3A_157 : vector<16xi1>, vector<16xi32>
      %min3A_159 = arith.minsi %min3A_154, %select_n3A_158 : vector<16xi32>
      %eq3A_160 = arith.cmpf oeq, %get3A_79, %max3A_121 : vector<16xf32>
      %jit3A_161 = arith.constant 16 : i32
      %broadcast_in_dim3A_162 = vector.broadcast %jit3A_161 : i32 to vector<16xi32>
      %select_n3A_163 = arith.select %eq3A_160, %broadcast_in_dim3A_19, %broadcast_in_dim3A_162 : vector<16xi1>, vector<16xi32>
      %min3A_164 = arith.minsi %min3A_159, %select_n3A_163 : vector<16xi32>
      %eq3A_165 = arith.cmpf oeq, %get3A_83, %max3A_121 : vector<16xf32>
      %jit3A_166 = arith.constant 16 : i32
      %broadcast_in_dim3A_167 = vector.broadcast %jit3A_166 : i32 to vector<16xi32>
      %select_n3A_168 = arith.select %eq3A_165, %broadcast_in_dim3A_21, %broadcast_in_dim3A_167 : vector<16xi1>, vector<16xi32>
      %min3A_169 = arith.minsi %min3A_164, %select_n3A_168 : vector<16xi32>
      %eq3A_170 = arith.cmpf oeq, %get3A_87, %max3A_121 : vector<16xf32>
      %jit3A_171 = arith.constant 16 : i32
      %broadcast_in_dim3A_172 = vector.broadcast %jit3A_171 : i32 to vector<16xi32>
      %select_n3A_173 = arith.select %eq3A_170, %broadcast_in_dim3A_23, %broadcast_in_dim3A_172 : vector<16xi1>, vector<16xi32>
      %min3A_174 = arith.minsi %min3A_169, %select_n3A_173 : vector<16xi32>
      %eq3A_175 = arith.cmpf oeq, %get3A_91, %max3A_121 : vector<16xf32>
      %jit3A_176 = arith.constant 16 : i32
      %broadcast_in_dim3A_177 = vector.broadcast %jit3A_176 : i32 to vector<16xi32>
      %select_n3A_178 = arith.select %eq3A_175, %broadcast_in_dim3A_25, %broadcast_in_dim3A_177 : vector<16xi1>, vector<16xi32>
      %min3A_179 = arith.minsi %min3A_174, %select_n3A_178 : vector<16xi32>
      %eq3A_180 = arith.cmpf oeq, %get3A_95, %max3A_121 : vector<16xf32>
      %jit3A_181 = arith.constant 16 : i32
      %broadcast_in_dim3A_182 = vector.broadcast %jit3A_181 : i32 to vector<16xi32>
      %select_n3A_183 = arith.select %eq3A_180, %broadcast_in_dim3A_27, %broadcast_in_dim3A_182 : vector<16xi1>, vector<16xi32>
      %min3A_184 = arith.minsi %min3A_179, %select_n3A_183 : vector<16xi32>
      %eq3A_185 = arith.cmpf oeq, %get3A_99, %max3A_121 : vector<16xf32>
      %jit3A_186 = arith.constant 16 : i32
      %broadcast_in_dim3A_187 = vector.broadcast %jit3A_186 : i32 to vector<16xi32>
      %select_n3A_188 = arith.select %eq3A_185, %broadcast_in_dim3A_29, %broadcast_in_dim3A_187 : vector<16xi1>, vector<16xi32>
      %min3A_189 = arith.minsi %min3A_184, %select_n3A_188 : vector<16xi32>
      %eq3A_190 = arith.cmpf oeq, %get3A_103, %max3A_121 : vector<16xf32>
      %jit3A_191 = arith.constant 16 : i32
      %broadcast_in_dim3A_192 = vector.broadcast %jit3A_191 : i32 to vector<16xi32>
      %select_n3A_193 = arith.select %eq3A_190, %broadcast_in_dim3A_31, %broadcast_in_dim3A_192 : vector<16xi1>, vector<16xi32>
      %min3A_194 = arith.minsi %min3A_189, %select_n3A_193 : vector<16xi32>
      %eq3A_195 = arith.cmpf oeq, %get3A_107, %max3A_121 : vector<16xf32>
      %jit3A_196 = arith.constant 16 : i32
      %broadcast_in_dim3A_197 = vector.broadcast %jit3A_196 : i32 to vector<16xi32>
      %select_n3A_198 = arith.select %eq3A_195, %broadcast_in_dim3A_33, %broadcast_in_dim3A_197 : vector<16xi1>, vector<16xi32>
      %min3A_199 = arith.minsi %min3A_194, %select_n3A_198 : vector<16xi32>
      %eq3A_200 = arith.cmpi eq, %min3A_199, %broadcast_in_dim3A_3 : vector<16xi32>
      %select_n3A_201 = arith.select %eq3A_200, %broadcast_in_dim3A_35, %get3A_47 : vector<16xi1>, vector<16xf32>
      %max3A_202 = arith.maximumf %broadcast_in_dim3A_35, %select_n3A_201 : vector<16xf32>
      %eq3A_203 = arith.cmpi eq, %min3A_199, %broadcast_in_dim3A_5 : vector<16xi32>
      %select_n3A_204 = arith.select %eq3A_203, %broadcast_in_dim3A_35, %get3A_51 : vector<16xi1>, vector<16xf32>
      %max3A_205 = arith.maximumf %max3A_202, %select_n3A_204 : vector<16xf32>
      %eq3A_206 = arith.cmpi eq, %min3A_199, %broadcast_in_dim3A_7 : vector<16xi32>
      %select_n3A_207 = arith.select %eq3A_206, %broadcast_in_dim3A_35, %get3A_55 : vector<16xi1>, vector<16xf32>
      %max3A_208 = arith.maximumf %max3A_205, %select_n3A_207 : vector<16xf32>
      %eq3A_209 = arith.cmpi eq, %min3A_199, %broadcast_in_dim3A_9 : vector<16xi32>
      %select_n3A_210 = arith.select %eq3A_209, %broadcast_in_dim3A_35, %get3A_59 : vector<16xi1>, vector<16xf32>
      %max3A_211 = arith.maximumf %max3A_208, %select_n3A_210 : vector<16xf32>
      %eq3A_212 = arith.cmpi eq, %min3A_199, %broadcast_in_dim3A_11 : vector<16xi32>
      %select_n3A_213 = arith.select %eq3A_212, %broadcast_in_dim3A_35, %get3A_63 : vector<16xi1>, vector<16xf32>
      %max3A_214 = arith.maximumf %max3A_211, %select_n3A_213 : vector<16xf32>
      %eq3A_215 = arith.cmpi eq, %min3A_199, %broadcast_in_dim3A_13 : vector<16xi32>
      %select_n3A_216 = arith.select %eq3A_215, %broadcast_in_dim3A_35, %get3A_67 : vector<16xi1>, vector<16xf32>
      %max3A_217 = arith.maximumf %max3A_214, %select_n3A_216 : vector<16xf32>
      %eq3A_218 = arith.cmpi eq, %min3A_199, %broadcast_in_dim3A_15 : vector<16xi32>
      %select_n3A_219 = arith.select %eq3A_218, %broadcast_in_dim3A_35, %get3A_71 : vector<16xi1>, vector<16xf32>
      %max3A_220 = arith.maximumf %max3A_217, %select_n3A_219 : vector<16xf32>
      %eq3A_221 = arith.cmpi eq, %min3A_199, %broadcast_in_dim3A_17 : vector<16xi32>
      %select_n3A_222 = arith.select %eq3A_221, %broadcast_in_dim3A_35, %get3A_75 : vector<16xi1>, vector<16xf32>
      %max3A_223 = arith.maximumf %max3A_220, %select_n3A_222 : vector<16xf32>
      %eq3A_224 = arith.cmpi eq, %min3A_199, %broadcast_in_dim3A_19 : vector<16xi32>
      %select_n3A_225 = arith.select %eq3A_224, %broadcast_in_dim3A_35, %get3A_79 : vector<16xi1>, vector<16xf32>
      %max3A_226 = arith.maximumf %max3A_223, %select_n3A_225 : vector<16xf32>
      %eq3A_227 = arith.cmpi eq, %min3A_199, %broadcast_in_dim3A_21 : vector<16xi32>
      %select_n3A_228 = arith.select %eq3A_227, %broadcast_in_dim3A_35, %get3A_83 : vector<16xi1>, vector<16xf32>
      %max3A_229 = arith.maximumf %max3A_226, %select_n3A_228 : vector<16xf32>
      %eq3A_230 = arith.cmpi eq, %min3A_199, %broadcast_in_dim3A_23 : vector<16xi32>
      %select_n3A_231 = arith.select %eq3A_230, %broadcast_in_dim3A_35, %get3A_87 : vector<16xi1>, vector<16xf32>
      %max3A_232 = arith.maximumf %max3A_229, %select_n3A_231 : vector<16xf32>
      %eq3A_233 = arith.cmpi eq, %min3A_199, %broadcast_in_dim3A_25 : vector<16xi32>
      %select_n3A_234 = arith.select %eq3A_233, %broadcast_in_dim3A_35, %get3A_91 : vector<16xi1>, vector<16xf32>
      %max3A_235 = arith.maximumf %max3A_232, %select_n3A_234 : vector<16xf32>
      %eq3A_236 = arith.cmpi eq, %min3A_199, %broadcast_in_dim3A_27 : vector<16xi32>
      %select_n3A_237 = arith.select %eq3A_236, %broadcast_in_dim3A_35, %get3A_95 : vector<16xi1>, vector<16xf32>
      %max3A_238 = arith.maximumf %max3A_235, %select_n3A_237 : vector<16xf32>
      %eq3A_239 = arith.cmpi eq, %min3A_199, %broadcast_in_dim3A_29 : vector<16xi32>
      %select_n3A_240 = arith.select %eq3A_239, %broadcast_in_dim3A_35, %get3A_99 : vector<16xi1>, vector<16xf32>
      %max3A_241 = arith.maximumf %max3A_238, %select_n3A_240 : vector<16xf32>
      %eq3A_242 = arith.cmpi eq, %min3A_199, %broadcast_in_dim3A_31 : vector<16xi32>
      %select_n3A_243 = arith.select %eq3A_242, %broadcast_in_dim3A_35, %get3A_103 : vector<16xi1>, vector<16xf32>
      %max3A_244 = arith.maximumf %max3A_241, %select_n3A_243 : vector<16xf32>
      %eq3A_245 = arith.cmpi eq, %min3A_199, %broadcast_in_dim3A_33 : vector<16xi32>
      %select_n3A_246 = arith.select %eq3A_245, %broadcast_in_dim3A_35, %get3A_107 : vector<16xi1>, vector<16xf32>
      %max3A_247 = arith.maximumf %max3A_244, %select_n3A_246 : vector<16xf32>
      %broadcast_in_dim3A_248 = arith.constant 16 : i32
      %broadcast_in_dim3A_249 = vector.broadcast %broadcast_in_dim3A_248 : i32 to vector<16xi32>
      %eq3A_250 = arith.cmpf oeq, %get3A_47, %max3A_247 : vector<16xf32>
      %ne3A = arith.cmpi ne, %min3A_199, %broadcast_in_dim3A_3 : vector<16xi32>
      %and3A = arith.andi %eq3A_250, %ne3A : vector<16xi1>
      %jit3A_251 = arith.constant 16 : i32
      %broadcast_in_dim3A_252 = vector.broadcast %jit3A_251 : i32 to vector<16xi32>
      %select_n3A_253 = arith.select %and3A, %broadcast_in_dim3A_3, %broadcast_in_dim3A_252 : vector<16xi1>, vector<16xi32>
      %min3A_254 = arith.minsi %broadcast_in_dim3A_249, %select_n3A_253 : vector<16xi32>
      %eq3A_255 = arith.cmpf oeq, %get3A_51, %max3A_247 : vector<16xf32>
      %ne3A_256 = arith.cmpi ne, %min3A_199, %broadcast_in_dim3A_5 : vector<16xi32>
      %and3A_257 = arith.andi %eq3A_255, %ne3A_256 : vector<16xi1>
      %jit3A_258 = arith.constant 16 : i32
      %broadcast_in_dim3A_259 = vector.broadcast %jit3A_258 : i32 to vector<16xi32>
      %select_n3A_260 = arith.select %and3A_257, %broadcast_in_dim3A_5, %broadcast_in_dim3A_259 : vector<16xi1>, vector<16xi32>
      %min3A_261 = arith.minsi %min3A_254, %select_n3A_260 : vector<16xi32>
      %eq3A_262 = arith.cmpf oeq, %get3A_55, %max3A_247 : vector<16xf32>
      %ne3A_263 = arith.cmpi ne, %min3A_199, %broadcast_in_dim3A_7 : vector<16xi32>
      %and3A_264 = arith.andi %eq3A_262, %ne3A_263 : vector<16xi1>
      %jit3A_265 = arith.constant 16 : i32
      %broadcast_in_dim3A_266 = vector.broadcast %jit3A_265 : i32 to vector<16xi32>
      %select_n3A_267 = arith.select %and3A_264, %broadcast_in_dim3A_7, %broadcast_in_dim3A_266 : vector<16xi1>, vector<16xi32>
      %min3A_268 = arith.minsi %min3A_261, %select_n3A_267 : vector<16xi32>
      %eq3A_269 = arith.cmpf oeq, %get3A_59, %max3A_247 : vector<16xf32>
      %ne3A_270 = arith.cmpi ne, %min3A_199, %broadcast_in_dim3A_9 : vector<16xi32>
      %and3A_271 = arith.andi %eq3A_269, %ne3A_270 : vector<16xi1>
      %jit3A_272 = arith.constant 16 : i32
      %broadcast_in_dim3A_273 = vector.broadcast %jit3A_272 : i32 to vector<16xi32>
      %select_n3A_274 = arith.select %and3A_271, %broadcast_in_dim3A_9, %broadcast_in_dim3A_273 : vector<16xi1>, vector<16xi32>
      %min3A_275 = arith.minsi %min3A_268, %select_n3A_274 : vector<16xi32>
      %eq3A_276 = arith.cmpf oeq, %get3A_63, %max3A_247 : vector<16xf32>
      %ne3A_277 = arith.cmpi ne, %min3A_199, %broadcast_in_dim3A_11 : vector<16xi32>
      %and3A_278 = arith.andi %eq3A_276, %ne3A_277 : vector<16xi1>
      %jit3A_279 = arith.constant 16 : i32
      %broadcast_in_dim3A_280 = vector.broadcast %jit3A_279 : i32 to vector<16xi32>
      %select_n3A_281 = arith.select %and3A_278, %broadcast_in_dim3A_11, %broadcast_in_dim3A_280 : vector<16xi1>, vector<16xi32>
      %min3A_282 = arith.minsi %min3A_275, %select_n3A_281 : vector<16xi32>
      %eq3A_283 = arith.cmpf oeq, %get3A_67, %max3A_247 : vector<16xf32>
      %ne3A_284 = arith.cmpi ne, %min3A_199, %broadcast_in_dim3A_13 : vector<16xi32>
      %and3A_285 = arith.andi %eq3A_283, %ne3A_284 : vector<16xi1>
      %jit3A_286 = arith.constant 16 : i32
      %broadcast_in_dim3A_287 = vector.broadcast %jit3A_286 : i32 to vector<16xi32>
      %select_n3A_288 = arith.select %and3A_285, %broadcast_in_dim3A_13, %broadcast_in_dim3A_287 : vector<16xi1>, vector<16xi32>
      %min3A_289 = arith.minsi %min3A_282, %select_n3A_288 : vector<16xi32>
      %eq3A_290 = arith.cmpf oeq, %get3A_71, %max3A_247 : vector<16xf32>
      %ne3A_291 = arith.cmpi ne, %min3A_199, %broadcast_in_dim3A_15 : vector<16xi32>
      %and3A_292 = arith.andi %eq3A_290, %ne3A_291 : vector<16xi1>
      %jit3A_293 = arith.constant 16 : i32
      %broadcast_in_dim3A_294 = vector.broadcast %jit3A_293 : i32 to vector<16xi32>
      %select_n3A_295 = arith.select %and3A_292, %broadcast_in_dim3A_15, %broadcast_in_dim3A_294 : vector<16xi1>, vector<16xi32>
      %min3A_296 = arith.minsi %min3A_289, %select_n3A_295 : vector<16xi32>
      %eq3A_297 = arith.cmpf oeq, %get3A_75, %max3A_247 : vector<16xf32>
      %ne3A_298 = arith.cmpi ne, %min3A_199, %broadcast_in_dim3A_17 : vector<16xi32>
      %and3A_299 = arith.andi %eq3A_297, %ne3A_298 : vector<16xi1>
      %jit3A_300 = arith.constant 16 : i32
      %broadcast_in_dim3A_301 = vector.broadcast %jit3A_300 : i32 to vector<16xi32>
      %select_n3A_302 = arith.select %and3A_299, %broadcast_in_dim3A_17, %broadcast_in_dim3A_301 : vector<16xi1>, vector<16xi32>
      %min3A_303 = arith.minsi %min3A_296, %select_n3A_302 : vector<16xi32>
      %eq3A_304 = arith.cmpf oeq, %get3A_79, %max3A_247 : vector<16xf32>
      %ne3A_305 = arith.cmpi ne, %min3A_199, %broadcast_in_dim3A_19 : vector<16xi32>
      %and3A_306 = arith.andi %eq3A_304, %ne3A_305 : vector<16xi1>
      %jit3A_307 = arith.constant 16 : i32
      %broadcast_in_dim3A_308 = vector.broadcast %jit3A_307 : i32 to vector<16xi32>
      %select_n3A_309 = arith.select %and3A_306, %broadcast_in_dim3A_19, %broadcast_in_dim3A_308 : vector<16xi1>, vector<16xi32>
      %min3A_310 = arith.minsi %min3A_303, %select_n3A_309 : vector<16xi32>
      %eq3A_311 = arith.cmpf oeq, %get3A_83, %max3A_247 : vector<16xf32>
      %ne3A_312 = arith.cmpi ne, %min3A_199, %broadcast_in_dim3A_21 : vector<16xi32>
      %and3A_313 = arith.andi %eq3A_311, %ne3A_312 : vector<16xi1>
      %jit3A_314 = arith.constant 16 : i32
      %broadcast_in_dim3A_315 = vector.broadcast %jit3A_314 : i32 to vector<16xi32>
      %select_n3A_316 = arith.select %and3A_313, %broadcast_in_dim3A_21, %broadcast_in_dim3A_315 : vector<16xi1>, vector<16xi32>
      %min3A_317 = arith.minsi %min3A_310, %select_n3A_316 : vector<16xi32>
      %eq3A_318 = arith.cmpf oeq, %get3A_87, %max3A_247 : vector<16xf32>
      %ne3A_319 = arith.cmpi ne, %min3A_199, %broadcast_in_dim3A_23 : vector<16xi32>
      %and3A_320 = arith.andi %eq3A_318, %ne3A_319 : vector<16xi1>
      %jit3A_321 = arith.constant 16 : i32
      %broadcast_in_dim3A_322 = vector.broadcast %jit3A_321 : i32 to vector<16xi32>
      %select_n3A_323 = arith.select %and3A_320, %broadcast_in_dim3A_23, %broadcast_in_dim3A_322 : vector<16xi1>, vector<16xi32>
      %min3A_324 = arith.minsi %min3A_317, %select_n3A_323 : vector<16xi32>
      %eq3A_325 = arith.cmpf oeq, %get3A_91, %max3A_247 : vector<16xf32>
      %ne3A_326 = arith.cmpi ne, %min3A_199, %broadcast_in_dim3A_25 : vector<16xi32>
      %and3A_327 = arith.andi %eq3A_325, %ne3A_326 : vector<16xi1>
      %jit3A_328 = arith.constant 16 : i32
      %broadcast_in_dim3A_329 = vector.broadcast %jit3A_328 : i32 to vector<16xi32>
      %select_n3A_330 = arith.select %and3A_327, %broadcast_in_dim3A_25, %broadcast_in_dim3A_329 : vector<16xi1>, vector<16xi32>
      %min3A_331 = arith.minsi %min3A_324, %select_n3A_330 : vector<16xi32>
      %eq3A_332 = arith.cmpf oeq, %get3A_95, %max3A_247 : vector<16xf32>
      %ne3A_333 = arith.cmpi ne, %min3A_199, %broadcast_in_dim3A_27 : vector<16xi32>
      %and3A_334 = arith.andi %eq3A_332, %ne3A_333 : vector<16xi1>
      %jit3A_335 = arith.constant 16 : i32
      %broadcast_in_dim3A_336 = vector.broadcast %jit3A_335 : i32 to vector<16xi32>
      %select_n3A_337 = arith.select %and3A_334, %broadcast_in_dim3A_27, %broadcast_in_dim3A_336 : vector<16xi1>, vector<16xi32>
      %min3A_338 = arith.minsi %min3A_331, %select_n3A_337 : vector<16xi32>
      %eq3A_339 = arith.cmpf oeq, %get3A_99, %max3A_247 : vector<16xf32>
      %ne3A_340 = arith.cmpi ne, %min3A_199, %broadcast_in_dim3A_29 : vector<16xi32>
      %and3A_341 = arith.andi %eq3A_339, %ne3A_340 : vector<16xi1>
      %jit3A_342 = arith.constant 16 : i32
      %broadcast_in_dim3A_343 = vector.broadcast %jit3A_342 : i32 to vector<16xi32>
      %select_n3A_344 = arith.select %and3A_341, %broadcast_in_dim3A_29, %broadcast_in_dim3A_343 : vector<16xi1>, vector<16xi32>
      %min3A_345 = arith.minsi %min3A_338, %select_n3A_344 : vector<16xi32>
      %eq3A_346 = arith.cmpf oeq, %get3A_103, %max3A_247 : vector<16xf32>
      %ne3A_347 = arith.cmpi ne, %min3A_199, %broadcast_in_dim3A_31 : vector<16xi32>
      %and3A_348 = arith.andi %eq3A_346, %ne3A_347 : vector<16xi1>
      %jit3A_349 = arith.constant 16 : i32
      %broadcast_in_dim3A_350 = vector.broadcast %jit3A_349 : i32 to vector<16xi32>
      %select_n3A_351 = arith.select %and3A_348, %broadcast_in_dim3A_31, %broadcast_in_dim3A_350 : vector<16xi1>, vector<16xi32>
      %min3A_352 = arith.minsi %min3A_345, %select_n3A_351 : vector<16xi32>
      %eq3A_353 = arith.cmpf oeq, %get3A_107, %max3A_247 : vector<16xf32>
      %ne3A_354 = arith.cmpi ne, %min3A_199, %broadcast_in_dim3A_33 : vector<16xi32>
      %and3A_355 = arith.andi %eq3A_353, %ne3A_354 : vector<16xi1>
      %jit3A_356 = arith.constant 16 : i32
      %broadcast_in_dim3A_357 = vector.broadcast %jit3A_356 : i32 to vector<16xi32>
      %select_n3A_358 = arith.select %and3A_355, %broadcast_in_dim3A_33, %broadcast_in_dim3A_357 : vector<16xi1>, vector<16xi32>
      %min3A_359 = arith.minsi %min3A_352, %select_n3A_358 : vector<16xi32>
      %sub3A = arith.subf %max3A_247, %max3A_121 : vector<16xf32>
      %exp3A = math.exp %sub3A : vector<16xf32>
      %add3A_360 = arith.constant 1.000000e+00 : f32
      %add3A_361 = vector.broadcast %add3A_360 : f32 to vector<16xf32>
      %add3A_362 = arith.addf %add3A_361, %exp3A : vector<16xf32>
      %div3A = arith.constant 1.000000e+00 : f32
      %div3A_363 = vector.broadcast %div3A : f32 to vector<16xf32>
      %div3A_364 = arith.divf %div3A_363, %add3A_362 : vector<16xf32>
      %mul3A_365 = arith.mulf %exp3A, %div3A_364 : vector<16xf32>
      %eq3A_366 = arith.cmpi eq, %min3A_199, %broadcast_in_dim3A_3 : vector<16xi32>
      %eq3A_367 = arith.cmpi eq, %min3A_359, %broadcast_in_dim3A_3 : vector<16xi32>
      %select_n3A_368 = arith.select %eq3A_367, %mul3A_365, %broadcast_in_dim3A_37 : vector<16xi1>, vector<16xf32>
      %select_n3A_369 = arith.select %eq3A_366, %div3A_364, %select_n3A_368 : vector<16xi1>, vector<16xf32>
      %swap3A = arith.constant 0 : i32
      %swap3A_370 = arith.index_cast %swap3A : i32 to index
      %swap3A_371 = arith.index_cast %mul3A_44 : i32 to index
      %swap3A_372 = tpu.vector_load %arg6[%swap3A_370, %swap3A_371] {strides = array<i32>} : memref<16x256xf32, #tpu.memory_space<vmem>>, vector<16xf32>,
      tpu.vector_store %arg6[%swap3A_370, %swap3A_371], %select_n3A_369 {strides = array<i32>} : memref<16x256xf32, #tpu.memory_space<vmem>>, vector<16xf32>,
      %eq3A_373 = arith.cmpi eq, %min3A_199, %broadcast_in_dim3A_5 : vector<16xi32>
      %eq3A_374 = arith.cmpi eq, %min3A_359, %broadcast_in_dim3A_5 : vector<16xi32>
      %select_n3A_375 = arith.select %eq3A_374, %mul3A_365, %broadcast_in_dim3A_37 : vector<16xi1>, vector<16xf32>
      %select_n3A_376 = arith.select %eq3A_373, %div3A_364, %select_n3A_375 : vector<16xi1>, vector<16xf32>
      %swap3A_377 = arith.constant 1 : i32
      %swap3A_378 = arith.index_cast %swap3A_377 : i32 to index
      %swap3A_379 = arith.index_cast %mul3A_44 : i32 to index
      %swap3A_380 = tpu.vector_load %arg6[%swap3A_378, %swap3A_379] {strides = array<i32>} : memref<16x256xf32, #tpu.memory_space<vmem>>, vector<16xf32>,
      tpu.vector_store %arg6[%swap3A_378, %swap3A_379], %select_n3A_376 {strides = array<i32>} : memref<16x256xf32, #tpu.memory_space<vmem>>, vector<16xf32>,
      %eq3A_381 = arith.cmpi eq, %min3A_199, %broadcast_in_dim3A_7 : vector<16xi32>
      %eq3A_382 = arith.cmpi eq, %min3A_359, %broadcast_in_dim3A_7 : vector<16xi32>
      %select_n3A_383 = arith.select %eq3A_382, %mul3A_365, %broadcast_in_dim3A_37 : vector<16xi1>, vector<16xf32>
      %select_n3A_384 = arith.select %eq3A_381, %div3A_364, %select_n3A_383 : vector<16xi1>, vector<16xf32>
      %swap3A_385 = arith.constant 2 : i32
      %swap3A_386 = arith.index_cast %swap3A_385 : i32 to index
      %swap3A_387 = arith.index_cast %mul3A_44 : i32 to index
      %swap3A_388 = tpu.vector_load %arg6[%swap3A_386, %swap3A_387] {strides = array<i32>} : memref<16x256xf32, #tpu.memory_space<vmem>>, vector<16xf32>,
      tpu.vector_store %arg6[%swap3A_386, %swap3A_387], %select_n3A_384 {strides = array<i32>} : memref<16x256xf32, #tpu.memory_space<vmem>>, vector<16xf32>,
      %eq3A_389 = arith.cmpi eq, %min3A_199, %broadcast_in_dim3A_9 : vector<16xi32>
      %eq3A_390 = arith.cmpi eq, %min3A_359, %broadcast_in_dim3A_9 : vector<16xi32>
      %select_n3A_391 = arith.select %eq3A_390, %mul3A_365, %broadcast_in_dim3A_37 : vector<16xi1>, vector<16xf32>
      %select_n3A_392 = arith.select %eq3A_389, %div3A_364, %select_n3A_391 : vector<16xi1>, vector<16xf32>
      %swap3A_393 = arith.constant 3 : i32
      %swap3A_394 = arith.index_cast %swap3A_393 : i32 to index
      %swap3A_395 = arith.index_cast %mul3A_44 : i32 to index
      %swap3A_396 = tpu.vector_load %arg6[%swap3A_394, %swap3A_395] {strides = array<i32>} : memref<16x256xf32, #tpu.memory_space<vmem>>, vector<16xf32>,
      tpu.vector_store %arg6[%swap3A_394, %swap3A_395], %select_n3A_392 {strides = array<i32>} : memref<16x256xf32, #tpu.memory_space<vmem>>, vector<16xf32>,
      %eq3A_397 = arith.cmpi eq, %min3A_199, %broadcast_in_dim3A_11 : vector<16xi32>
      %eq3A_398 = arith.cmpi eq, %min3A_359, %broadcast_in_dim3A_11 : vector<16xi32>
      %select_n3A_399 = arith.select %eq3A_398, %mul3A_365, %broadcast_in_dim3A_37 : vector<16xi1>, vector<16xf32>
      %select_n3A_400 = arith.select %eq3A_397, %div3A_364, %select_n3A_399 : vector<16xi1>, vector<16xf32>
      %swap3A_401 = arith.constant 4 : i32
      %swap3A_402 = arith.index_cast %swap3A_401 : i32 to index
      %swap3A_403 = arith.index_cast %mul3A_44 : i32 to index
      %swap3A_404 = tpu.vector_load %arg6[%swap3A_402, %swap3A_403] {strides = array<i32>} : memref<16x256xf32, #tpu.memory_space<vmem>>, vector<16xf32>,
      tpu.vector_store %arg6[%swap3A_402, %swap3A_403], %select_n3A_400 {strides = array<i32>} : memref<16x256xf32, #tpu.memory_space<vmem>>, vector<16xf32>,
      %eq3A_405 = arith.cmpi eq, %min3A_199, %broadcast_in_dim3A_13 : vector<16xi32>
      %eq3A_406 = arith.cmpi eq, %min3A_359, %broadcast_in_dim3A_13 : vector<16xi32>
      %select_n3A_407 = arith.select %eq3A_406, %mul3A_365, %broadcast_in_dim3A_37 : vector<16xi1>, vector<16xf32>
      %select_n3A_408 = arith.select %eq3A_405, %div3A_364, %select_n3A_407 : vector<16xi1>, vector<16xf32>
      %swap3A_409 = arith.constant 5 : i32
      %swap3A_410 = arith.index_cast %swap3A_409 : i32 to index
      %swap3A_411 = arith.index_cast %mul3A_44 : i32 to index
      %swap3A_412 = tpu.vector_load %arg6[%swap3A_410, %swap3A_411] {strides = array<i32>} : memref<16x256xf32, #tpu.memory_space<vmem>>, vector<16xf32>,
      tpu.vector_store %arg6[%swap3A_410, %swap3A_411], %select_n3A_408 {strides = array<i32>} : memref<16x256xf32, #tpu.memory_space<vmem>>, vector<16xf32>,
      %eq3A_413 = arith.cmpi eq, %min3A_199, %broadcast_in_dim3A_15 : vector<16xi32>
      %eq3A_414 = arith.cmpi eq, %min3A_359, %broadcast_in_dim3A_15 : vector<16xi32>
      %select_n3A_415 = arith.select %eq3A_414, %mul3A_365, %broadcast_in_dim3A_37 : vector<16xi1>, vector<16xf32>
      %select_n3A_416 = arith.select %eq3A_413, %div3A_364, %select_n3A_415 : vector<16xi1>, vector<16xf32>
      %swap3A_417 = arith.constant 6 : i32
      %swap3A_418 = arith.index_cast %swap3A_417 : i32 to index
      %swap3A_419 = arith.index_cast %mul3A_44 : i32 to index
      %swap3A_420 = tpu.vector_load %arg6[%swap3A_418, %swap3A_419] {strides = array<i32>} : memref<16x256xf32, #tpu.memory_space<vmem>>, vector<16xf32>,
      tpu.vector_store %arg6[%swap3A_418, %swap3A_419], %select_n3A_416 {strides = array<i32>} : memref<16x256xf32, #tpu.memory_space<vmem>>, vector<16xf32>,
      %eq3A_421 = arith.cmpi eq, %min3A_199, %broadcast_in_dim3A_17 : vector<16xi32>
      %eq3A_422 = arith.cmpi eq, %min3A_359, %broadcast_in_dim3A_17 : vector<16xi32>
      %select_n3A_423 = arith.select %eq3A_422, %mul3A_365, %broadcast_in_dim3A_37 : vector<16xi1>, vector<16xf32>
      %select_n3A_424 = arith.select %eq3A_421, %div3A_364, %select_n3A_423 : vector<16xi1>, vector<16xf32>
      %swap3A_425 = arith.constant 7 : i32
      %swap3A_426 = arith.index_cast %swap3A_425 : i32 to index
      %swap3A_427 = arith.index_cast %mul3A_44 : i32 to index
      %swap3A_428 = tpu.vector_load %arg6[%swap3A_426, %swap3A_427] {strides = array<i32>} : memref<16x256xf32, #tpu.memory_space<vmem>>, vector<16xf32>,
      tpu.vector_store %arg6[%swap3A_426, %swap3A_427], %select_n3A_424 {strides = array<i32>} : memref<16x256xf32, #tpu.memory_space<vmem>>, vector<16xf32>,
      %eq3A_429 = arith.cmpi eq, %min3A_199, %broadcast_in_dim3A_19 : vector<16xi32>
      %eq3A_430 = arith.cmpi eq, %min3A_359, %broadcast_in_dim3A_19 : vector<16xi32>
      %select_n3A_431 = arith.select %eq3A_430, %mul3A_365, %broadcast_in_dim3A_37 : vector<16xi1>, vector<16xf32>
      %select_n3A_432 = arith.select %eq3A_429, %div3A_364, %select_n3A_431 : vector<16xi1>, vector<16xf32>
      %swap3A_433 = arith.constant 8 : i32
      %swap3A_434 = arith.index_cast %swap3A_433 : i32 to index
      %swap3A_435 = arith.index_cast %mul3A_44 : i32 to index
      %swap3A_436 = tpu.vector_load %arg6[%swap3A_434, %swap3A_435] {strides = array<i32>} : memref<16x256xf32, #tpu.memory_space<vmem>>, vector<16xf32>,
      tpu.vector_store %arg6[%swap3A_434, %swap3A_435], %select_n3A_432 {strides = array<i32>} : memref<16x256xf32, #tpu.memory_space<vmem>>, vector<16xf32>,
      %eq3A_437 = arith.cmpi eq, %min3A_199, %broadcast_in_dim3A_21 : vector<16xi32>
      %eq3A_438 = arith.cmpi eq, %min3A_359, %broadcast_in_dim3A_21 : vector<16xi32>
      %select_n3A_439 = arith.select %eq3A_438, %mul3A_365, %broadcast_in_dim3A_37 : vector<16xi1>, vector<16xf32>
      %select_n3A_440 = arith.select %eq3A_437, %div3A_364, %select_n3A_439 : vector<16xi1>, vector<16xf32>
      %swap3A_441 = arith.constant 9 : i32
      %swap3A_442 = arith.index_cast %swap3A_441 : i32 to index
      %swap3A_443 = arith.index_cast %mul3A_44 : i32 to index
      %swap3A_444 = tpu.vector_load %arg6[%swap3A_442, %swap3A_443] {strides = array<i32>} : memref<16x256xf32, #tpu.memory_space<vmem>>, vector<16xf32>,
      tpu.vector_store %arg6[%swap3A_442, %swap3A_443], %select_n3A_440 {strides = array<i32>} : memref<16x256xf32, #tpu.memory_space<vmem>>, vector<16xf32>,
      %eq3A_445 = arith.cmpi eq, %min3A_199, %broadcast_in_dim3A_23 : vector<16xi32>
      %eq3A_446 = arith.cmpi eq, %min3A_359, %broadcast_in_dim3A_23 : vector<16xi32>
      %select_n3A_447 = arith.select %eq3A_446, %mul3A_365, %broadcast_in_dim3A_37 : vector<16xi1>, vector<16xf32>
      %select_n3A_448 = arith.select %eq3A_445, %div3A_364, %select_n3A_447 : vector<16xi1>, vector<16xf32>
      %swap3A_449 = arith.constant 10 : i32
      %swap3A_450 = arith.index_cast %swap3A_449 : i32 to index
      %swap3A_451 = arith.index_cast %mul3A_44 : i32 to index
      %swap3A_452 = tpu.vector_load %arg6[%swap3A_450, %swap3A_451] {strides = array<i32>} : memref<16x256xf32, #tpu.memory_space<vmem>>, vector<16xf32>,
      tpu.vector_store %arg6[%swap3A_450, %swap3A_451], %select_n3A_448 {strides = array<i32>} : memref<16x256xf32, #tpu.memory_space<vmem>>, vector<16xf32>,
      %eq3A_453 = arith.cmpi eq, %min3A_199, %broadcast_in_dim3A_25 : vector<16xi32>
      %eq3A_454 = arith.cmpi eq, %min3A_359, %broadcast_in_dim3A_25 : vector<16xi32>
      %select_n3A_455 = arith.select %eq3A_454, %mul3A_365, %broadcast_in_dim3A_37 : vector<16xi1>, vector<16xf32>
      %select_n3A_456 = arith.select %eq3A_453, %div3A_364, %select_n3A_455 : vector<16xi1>, vector<16xf32>
      %swap3A_457 = arith.constant 11 : i32
      %swap3A_458 = arith.index_cast %swap3A_457 : i32 to index
      %swap3A_459 = arith.index_cast %mul3A_44 : i32 to index
      %swap3A_460 = tpu.vector_load %arg6[%swap3A_458, %swap3A_459] {strides = array<i32>} : memref<16x256xf32, #tpu.memory_space<vmem>>, vector<16xf32>,
      tpu.vector_store %arg6[%swap3A_458, %swap3A_459], %select_n3A_456 {strides = array<i32>} : memref<16x256xf32, #tpu.memory_space<vmem>>, vector<16xf32>,
      %eq3A_461 = arith.cmpi eq, %min3A_199, %broadcast_in_dim3A_27 : vector<16xi32>
      %eq3A_462 = arith.cmpi eq, %min3A_359, %broadcast_in_dim3A_27 : vector<16xi32>
      %select_n3A_463 = arith.select %eq3A_462, %mul3A_365, %broadcast_in_dim3A_37 : vector<16xi1>, vector<16xf32>
      %select_n3A_464 = arith.select %eq3A_461, %div3A_364, %select_n3A_463 : vector<16xi1>, vector<16xf32>
      %swap3A_465 = arith.constant 12 : i32
      %swap3A_466 = arith.index_cast %swap3A_465 : i32 to index
      %swap3A_467 = arith.index_cast %mul3A_44 : i32 to index
      %swap3A_468 = tpu.vector_load %arg6[%swap3A_466, %swap3A_467] {strides = array<i32>} : memref<16x256xf32, #tpu.memory_space<vmem>>, vector<16xf32>,
      tpu.vector_store %arg6[%swap3A_466, %swap3A_467], %select_n3A_464 {strides = array<i32>} : memref<16x256xf32, #tpu.memory_space<vmem>>, vector<16xf32>,
      %eq3A_469 = arith.cmpi eq, %min3A_199, %broadcast_in_dim3A_29 : vector<16xi32>
      %eq3A_470 = arith.cmpi eq, %min3A_359, %broadcast_in_dim3A_29 : vector<16xi32>
      %select_n3A_471 = arith.select %eq3A_470, %mul3A_365, %broadcast_in_dim3A_37 : vector<16xi1>, vector<16xf32>
      %select_n3A_472 = arith.select %eq3A_469, %div3A_364, %select_n3A_471 : vector<16xi1>, vector<16xf32>
      %swap3A_473 = arith.constant 13 : i32
      %swap3A_474 = arith.index_cast %swap3A_473 : i32 to index
      %swap3A_475 = arith.index_cast %mul3A_44 : i32 to index
      %swap3A_476 = tpu.vector_load %arg6[%swap3A_474, %swap3A_475] {strides = array<i32>} : memref<16x256xf32, #tpu.memory_space<vmem>>, vector<16xf32>,
      tpu.vector_store %arg6[%swap3A_474, %swap3A_475], %select_n3A_472 {strides = array<i32>} : memref<16x256xf32, #tpu.memory_space<vmem>>, vector<16xf32>,
      %eq3A_477 = arith.cmpi eq, %min3A_199, %broadcast_in_dim3A_31 : vector<16xi32>
      %eq3A_478 = arith.cmpi eq, %min3A_359, %broadcast_in_dim3A_31 : vector<16xi32>
      %select_n3A_479 = arith.select %eq3A_478, %mul3A_365, %broadcast_in_dim3A_37 : vector<16xi1>, vector<16xf32>
      %select_n3A_480 = arith.select %eq3A_477, %div3A_364, %select_n3A_479 : vector<16xi1>, vector<16xf32>
      %swap3A_481 = arith.constant 14 : i32
      %swap3A_482 = arith.index_cast %swap3A_481 : i32 to index
      %swap3A_483 = arith.index_cast %mul3A_44 : i32 to index
      %swap3A_484 = tpu.vector_load %arg6[%swap3A_482, %swap3A_483] {strides = array<i32>} : memref<16x256xf32, #tpu.memory_space<vmem>>, vector<16xf32>,
      tpu.vector_store %arg6[%swap3A_482, %swap3A_483], %select_n3A_480 {strides = array<i32>} : memref<16x256xf32, #tpu.memory_space<vmem>>, vector<16xf32>,
      %eq3A_485 = arith.cmpi eq, %min3A_199, %broadcast_in_dim3A_33 : vector<16xi32>
      %eq3A_486 = arith.cmpi eq, %min3A_359, %broadcast_in_dim3A_33 : vector<16xi32>
      %select_n3A_487 = arith.select %eq3A_486, %mul3A_365, %broadcast_in_dim3A_37 : vector<16xi1>, vector<16xf32>
      %select_n3A_488 = arith.select %eq3A_485, %div3A_364, %select_n3A_487 : vector<16xi1>, vector<16xf32>
      %swap3A_489 = arith.constant 15 : i32
      %swap3A_490 = arith.index_cast %swap3A_489 : i32 to index
      %swap3A_491 = arith.index_cast %mul3A_44 : i32 to index
      %swap3A_492 = tpu.vector_load %arg6[%swap3A_490, %swap3A_491] {strides = array<i32>} : memref<16x256xf32, #tpu.memory_space<vmem>>, vector<16xf32>,
      tpu.vector_store %arg6[%swap3A_490, %swap3A_491], %select_n3A_488 {strides = array<i32>} : memref<16x256xf32, #tpu.memory_space<vmem>>, vector<16xf32>,
      %swap3A_493 = arith.constant 0 : i32
      %swap3A_494 = arith.index_cast %swap3A_493 : i32 to index
      %swap3A_495 = arith.index_cast %mul3A_44 : i32 to index
      %swap3A_496 = tpu.vector_load %arg7[%swap3A_494, %swap3A_495] {strides = array<i32>} : memref<2x256xi32, #tpu.memory_space<vmem>>, vector<16xi32>,
      tpu.vector_store %arg7[%swap3A_494, %swap3A_495], %min3A_199 {strides = array<i32>} : memref<2x256xi32, #tpu.memory_space<vmem>>, vector<16xi32>,
      %swap3A_497 = arith.constant 1 : i32
      %swap3A_498 = arith.index_cast %swap3A_497 : i32 to index
      %swap3A_499 = arith.index_cast %mul3A_44 : i32 to index
      %swap3A_500 = tpu.vector_load %arg7[%swap3A_498, %swap3A_499] {strides = array<i32>} : memref<2x256xi32, #tpu.memory_space<vmem>>, vector<16xi32>,
      tpu.vector_store %arg7[%swap3A_498, %swap3A_499], %min3A_359 {strides = array<i32>} : memref<2x256xi32, #tpu.memory_space<vmem>>, vector<16xi32>,
    }
    %scan3A_41 = arith.constant 16 : i32
    "tpu.region"() ({
      %run_scoped3A = tpu.sem_alloc : memref<!tpu.dma_semaphore, #tpu.memory_space<semaphore_mem>>
      %dma_start3A = arith.constant 0 : i32
      %dma_start3A_42 = tpu.memref_slice %arg3[%dma_start3A, %mul3A_2] : memref<16x8192xf32, #tpu.memory_space<hbm>> -> memref<16x256xf32, #tpu.memory_space<hbm>>
      %dma_start3A_43 = arith.constant 0 : i32
      %dma_start3A_44 = tpu.memref_slice %arg3[%dma_start3A_43, %mul3A_2] : memref<16x8192xf32, #tpu.memory_space<hbm>> -> memref<16x256xf32, #tpu.memory_space<hbm>>
      tpu.enqueue_dma source(%arg6 : memref<16x256xf32, #tpu.memory_space<vmem>>) target(%dma_start3A_44 : memref<16x256xf32, #tpu.memory_space<hbm>>) target_semaphore(%run_scoped3A : memref<!tpu.dma_semaphore, #tpu.memory_space<semaphore_mem>>)
      %dma_wait3A = arith.constant 0 : i32
      %dma_wait3A_45 = tpu.memref_slice %arg3[%dma_wait3A, %mul3A_2] : memref<16x8192xf32, #tpu.memory_space<hbm>> -> memref<16x256xf32, #tpu.memory_space<hbm>>
      %dma_wait3A_46 = arith.constant 0 : i32
      %dma_wait3A_47 = tpu.memref_slice %arg3[%dma_wait3A_46, %mul3A_2] : memref<16x8192xf32, #tpu.memory_space<hbm>> -> memref<16x256xf32, #tpu.memory_space<hbm>>
      tpu.wait_dma2 semaphore(%run_scoped3A : memref<!tpu.dma_semaphore, #tpu.memory_space<semaphore_mem>>) src(%arg6 : memref<16x256xf32, #tpu.memory_space<vmem>>) dst(%dma_wait3A_47 : memref<16x256xf32, #tpu.memory_space<hbm>>)
      tpu.yield
    }) : () -> ()
    "tpu.region"() ({
      %run_scoped3A = tpu.sem_alloc : memref<!tpu.dma_semaphore, #tpu.memory_space<semaphore_mem>>
      %dma_start3A = arith.constant 0 : i32
      %dma_start3A_42 = tpu.memref_slice %arg4[%dma_start3A, %mul3A_2] : memref<2x8192xi32, #tpu.memory_space<hbm>> -> memref<2x256xi32, #tpu.memory_space<hbm>>
      %dma_start3A_43 = arith.constant 0 : i32
      %dma_start3A_44 = tpu.memref_slice %arg4[%dma_start3A_43, %mul3A_2] : memref<2x8192xi32, #tpu.memory_space<hbm>> -> memref<2x256xi32, #tpu.memory_space<hbm>>
      tpu.enqueue_dma source(%arg7 : memref<2x256xi32, #tpu.memory_space<vmem>>) target(%dma_start3A_44 : memref<2x256xi32, #tpu.memory_space<hbm>>) target_semaphore(%run_scoped3A : memref<!tpu.dma_semaphore, #tpu.memory_space<semaphore_mem>>)
      %dma_wait3A = arith.constant 0 : i32
      %dma_wait3A_45 = tpu.memref_slice %arg4[%dma_wait3A, %mul3A_2] : memref<2x8192xi32, #tpu.memory_space<hbm>> -> memref<2x256xi32, #tpu.memory_space<hbm>>
      %dma_wait3A_46 = arith.constant 0 : i32
      %dma_wait3A_47 = tpu.memref_slice %arg4[%dma_wait3A_46, %mul3A_2] : memref<2x8192xi32, #tpu.memory_space<hbm>> -> memref<2x256xi32, #tpu.memory_space<hbm>>
      tpu.wait_dma2 semaphore(%run_scoped3A : memref<!tpu.dma_semaphore, #tpu.memory_space<semaphore_mem>>) src(%arg7 : memref<2x256xi32, #tpu.memory_space<vmem>>) dst(%dma_wait3A_47 : memref<2x256xi32, #tpu.memory_space<hbm>>)
      tpu.yield
    }) : () -> ()
    return
  }
}

module attributes {stable_mosaic.version = 14 : i64} {
  func.func @_dense_block(%arg0: i32, %arg1: memref<1024x2048xf32, #tpu.memory_space<vmem>>, %arg2: memref<16x2048xf32, #tpu.memory_space<vmem>>, %arg3: memref<16x2048xf32, #tpu.memory_space<vmem>>, %arg4: memref<1x16xf32, #tpu.memory_space<vmem>>, %arg5: memref<1x16xf32, #tpu.memory_space<vmem>>, %arg6: memref<1024x16xf32, #tpu.memory_space<vmem>>, %arg7: memref<16x1024xf32, #tpu.memory_space<vmem>>, %arg8: memref<16x1024xf32, #tpu.memory_space<vmem>>) attributes {dimension_semantics = [#tpu.dimension_semantics<arbitrary>], iteration_bounds = array<i64: 8>, scalar_prefetch = 0 : i64, scratch_operands = 0 : i64, tpu.core_type = #tpu.core_type<tc>, window_params = [{transform_indices = @transform_0, window_bounds = array<i64: 1024, 2048>}, {pipeline_mode = #tpu.pipeline_mode<synchronous>, transform_indices = @transform_1, window_bounds = array<i64: 16, 2048>}, {pipeline_mode = #tpu.pipeline_mode<synchronous>, transform_indices = @transform_2, window_bounds = array<i64: 16, 2048>}, {pipeline_mode = #tpu.pipeline_mode<synchronous>, transform_indices = @transform_3, window_bounds = array<i64: 1, 16>}, {pipeline_mode = #tpu.pipeline_mode<synchronous>, transform_indices = @transform_4, window_bounds = array<i64: 1, 16>}, {transform_indices = @transform_5, window_bounds = array<i64: 1024, 16>}, {transform_indices = @transform_6, window_bounds = array<i64: 16, 1024>}, {transform_indices = @transform_7, window_bounds = array<i64: 16, 1024>}]} {
    %get3A = arith.constant 0 : index
    %get3A_0 = arith.constant 0 : index
    %get3A_1 = vector.load %arg1[%get3A, %get3A_0] : memref<1024x2048xf32, #tpu.memory_space<vmem>>, vector<1024x2048xf32>
    %get3A_2 = arith.constant 0 : index
    %get3A_3 = arith.constant 0 : index
    %get3A_4 = vector.load %arg2[%get3A_2, %get3A_3] : memref<16x2048xf32, #tpu.memory_space<vmem>>, vector<16x2048xf32>
    %dot_general3A = arith.constant dense<0.000000e+00> : vector<1024x16xf32>
    %dot_general3A_5 = tpu.matmul %get3A_1, %get3A_4, %dot_general3A {dimension_numbers = #tpu.dot_dimension_numbers<[1], [1], [0], [0], [0, 0, 1, 0], [], []>, transpose_lhs_hint = false} : vector<1024x2048xf32>, vector<16x2048xf32>, vector<1024x16xf32> -> vector<1024x16xf32>
    %get3A_6 = arith.constant 0 : index
    %get3A_7 = arith.constant 0 : index
    %get3A_8 = vector.load %arg4[%get3A_6, %get3A_7] : memref<1x16xf32, #tpu.memory_space<vmem>>, vector<1x16xf32>
    %add3A = vector.broadcast %get3A_8 : vector<1x16xf32> to vector<1024x16xf32>
    %add3A_9 = arith.addf %dot_general3A_5, %add3A : vector<1024x16xf32>
    %get3A_10 = arith.constant 0 : index
    %get3A_11 = arith.constant 0 : index
    %get3A_12 = vector.load %arg3[%get3A_10, %get3A_11] : memref<16x2048xf32, #tpu.memory_space<vmem>>, vector<16x2048xf32>
    %dot_general3A_13 = arith.constant dense<0.000000e+00> : vector<1024x16xf32>
    %dot_general3A_14 = tpu.matmul %get3A_1, %get3A_12, %dot_general3A_13 {dimension_numbers = #tpu.dot_dimension_numbers<[1], [1], [0], [0], [0, 0, 1, 0], [], []>, transpose_lhs_hint = false} : vector<1024x2048xf32>, vector<16x2048xf32>, vector<1024x16xf32> -> vector<1024x16xf32>
    %get3A_15 = arith.constant 0 : index
    %get3A_16 = arith.constant 0 : index
    %get3A_17 = vector.load %arg5[%get3A_15, %get3A_16] : memref<1x16xf32, #tpu.memory_space<vmem>>, vector<1x16xf32>
    %add3A_18 = vector.broadcast %get3A_17 : vector<1x16xf32> to vector<1024x16xf32>
    %add3A_19 = arith.addf %dot_general3A_14, %add3A_18 : vector<1024x16xf32>
    %get3A_20 = arith.constant 0 : index
    %get3A_21 = arith.constant 0 : index
    %get3A_22 = vector.load %arg6[%get3A_20, %get3A_21] : memref<1024x16xf32, #tpu.memory_space<vmem>>, vector<1024x16xf32>
    %custom_jvp_call3A = arith.constant 0.000000e+00 : f32
    %max3A = vector.broadcast %custom_jvp_call3A : f32 to vector<1024x16xf32>
    %max3A_23 = arith.maximumf %add3A_19, %max3A : vector<1024x16xf32>
    %sub3A = vector.broadcast %custom_jvp_call3A : f32 to vector<1024x16xf32>
    %sub3A_24 = arith.subf %add3A_19, %sub3A : vector<1024x16xf32>
    %ne3A = arith.cmpf one, %sub3A_24, %sub3A_24 : vector<1024x16xf32>
    %add3A_25 = vector.broadcast %custom_jvp_call3A : f32 to vector<1024x16xf32>
    %add3A_26 = arith.addf %add3A_19, %add3A_25 : vector<1024x16xf32>
    %abs3A = math.absf %sub3A_24 : vector<1024x16xf32>
    %neg3A = arith.constant 0.000000e+00 : f32
    %neg3A_27 = vector.broadcast %neg3A : f32 to vector<1024x16xf32>
    %neg3A_28 = arith.subf %neg3A_27, %abs3A : vector<1024x16xf32>
    %exp3A = math.exp %neg3A_28 : vector<1024x16xf32>
    %log1p3A = math.log1p %exp3A : vector<1024x16xf32>
    %add3A_29 = arith.addf %max3A_23, %log1p3A : vector<1024x16xf32>
    %select_n3A = arith.select %ne3A, %add3A_26, %add3A_29 : vector<1024x16xi1>, vector<1024x16xf32>
    %mul3A = arith.mulf %get3A_22, %select_n3A : vector<1024x16xf32>
    %add3A_30 = arith.addf %add3A_9, %mul3A : vector<1024x16xf32>
    %transpose3A = tpu.transpose %add3A_30, [1, 0] : vector<1024x16xf32> -> vector<16x1024xf32>
    %swap3A = arith.constant 0 : index
    %swap3A_31 = arith.constant 0 : index
    %swap3A_32 = vector.load %arg7[%swap3A, %swap3A_31] : memref<16x1024xf32, #tpu.memory_space<vmem>>, vector<16x1024xf32>
    tpu.vector_store %arg7[%swap3A, %swap3A_31], %transpose3A {strides = array<i32>} : memref<16x1024xf32, #tpu.memory_space<vmem>>, vector<16x1024xf32>,
    %reduce_max3A = arith.constant dense<0xFF800000> : vector<1024xf32>
    %reduce_max3A_33 = vector.multi_reduction <maximumf>, %add3A_30, %reduce_max3A [1] : vector<1024x16xf32> to vector<1024xf32>
    %broadcast_in_dim3A = vector.shape_cast %reduce_max3A_33 : vector<1024xf32> to vector<1024x1xf32>
    %sub3A_34 = vector.broadcast %broadcast_in_dim3A : vector<1024x1xf32> to vector<1024x16xf32>
    %sub3A_35 = arith.subf %add3A_30, %sub3A_34 : vector<1024x16xf32>
    %exp3A_36 = math.exp %sub3A_35 : vector<1024x16xf32>
    %reduce_sum3A = arith.constant dense<0.000000e+00> : vector<1024xf32>
    %reduce_sum3A_37 = vector.multi_reduction <add>, %exp3A_36, %reduce_sum3A [1] : vector<1024x16xf32> to vector<1024xf32>
    %broadcast_in_dim3A_38 = vector.shape_cast %reduce_sum3A_37 : vector<1024xf32> to vector<1024x1xf32>
    %div3A = vector.broadcast %broadcast_in_dim3A_38 : vector<1024x1xf32> to vector<1024x16xf32>
    %div3A_39 = arith.divf %exp3A_36, %div3A : vector<1024x16xf32>
    %transpose3A_40 = tpu.transpose %div3A_39, [1, 0] : vector<1024x16xf32> -> vector<16x1024xf32>
    %swap3A_41 = arith.constant 0 : index
    %swap3A_42 = arith.constant 0 : index
    %swap3A_43 = vector.load %arg8[%swap3A_41, %swap3A_42] : memref<16x1024xf32, #tpu.memory_space<vmem>>, vector<16x1024xf32>
    tpu.vector_store %arg8[%swap3A_41, %swap3A_42], %transpose3A_40 {strides = array<i32>} : memref<16x1024xf32, #tpu.memory_space<vmem>>, vector<16x1024xf32>,
    return
  }
  func.func @transform_0(%arg0: i32) -> (i32, i32) {
    %c0_i32 = arith.constant 0 : i32
    %c0_i32_0 = arith.constant 0 : i32
    return %arg0, %c0_i32 : i32, i32
  }
  func.func @transform_1(%arg0: i32) -> (i32, i32) {
    %c0_i32 = arith.constant 0 : i32
    %c0_i32_0 = arith.constant 0 : i32
    %c0_i32_1 = arith.constant 0 : i32
    return %c0_i32, %c0_i32_0 : i32, i32
  }
  func.func @transform_2(%arg0: i32) -> (i32, i32) {
    %c0_i32 = arith.constant 0 : i32
    %c0_i32_0 = arith.constant 0 : i32
    %c0_i32_1 = arith.constant 0 : i32
    return %c0_i32, %c0_i32_0 : i32, i32
  }
  func.func @transform_3(%arg0: i32) -> (i32, i32) {
    %c0_i32 = arith.constant 0 : i32
    %c0_i32_0 = arith.constant 0 : i32
    %c0_i32_1 = arith.constant 0 : i32
    return %c0_i32, %c0_i32_0 : i32, i32
  }
  func.func @transform_4(%arg0: i32) -> (i32, i32) {
    %c0_i32 = arith.constant 0 : i32
    %c0_i32_0 = arith.constant 0 : i32
    %c0_i32_1 = arith.constant 0 : i32
    return %c0_i32, %c0_i32_0 : i32, i32
  }
  func.func @transform_5(%arg0: i32) -> (i32, i32) {
    %c0_i32 = arith.constant 0 : i32
    %c0_i32_0 = arith.constant 0 : i32
    return %arg0, %c0_i32 : i32, i32
  }
  func.func @transform_6(%arg0: i32) -> (i32, i32) {
    %c0_i32 = arith.constant 0 : i32
    %c0_i32_0 = arith.constant 0 : i32
    return %c0_i32, %arg0 : i32, i32
  }
  func.func @transform_7(%arg0: i32) -> (i32, i32) {
    %c0_i32 = arith.constant 0 : i32
    %c0_i32_0 = arith.constant 0 : i32
    return %c0_i32, %arg0 : i32, i32
  }
}

</mosaic_0001>

<sc_bundles>
// kernel: kernel.4.cloned.1.call-start
scs
__scs_entry_jumppad:
0x0: {  	(pc) =	sbr.rel $0x88, $3  }
0x1: {  	(tag) =	ssettag $0x0;
	lr =	simm.s32 $0x1  }
0x2: {  	[smem:$0x3F9B] =	sst lr;
	_ =	strace $0xD0000000  }
0x3: {  	_ = 	snop  }
0x4: {  	_ = 	snop  }
0x5: {  	_ = 	snop  }
0x6: {  	_ = 	snop  }
0x7: {  	_ = 	snop  }
__scs_overlays_trampoline_lowered:
0x8: {  	[smem:$0x3FAA] =	sst s0  }
0x9: {  	[smem:$0x3FAB] =	sst s1  }
0xa: {  	[smem:$0x3FAC] =	sst s2  }
0xb: {  	[smem:$0x3FAD] =	sst s3  }
0xc: {  	[smem:$0x3FAE] =	sst s4  }
0xd: {  	[smem:$0x3FAF] =	sst s5  }
0xe: {  	[smem:$0x3FB0] =	sst s6  }
0xf: {  	[smem:$0x3FB1] =	sst s7  }
0x10: {  	[smem:$0x3FB2] =	sst s8  }
0x11: {  	[smem:$0x3FB3] =	sst s9;
	s0 =	simm.s32 @!p0 $0x0  }
0x12: {  	s1 =	sld [smem:$0x3F99];
	s0 =	simm.s32 @p0 $0x1  }
0x13: {  	[smem:$0x3FB4] =	sst s0;
	s0 =	simm.s32 @!p1 $0x0  }
0x14: {  	s2 =	sld [smem:$0x3F98];
	s0 =	simm.s32 @p1 $0x1  }
0x15: {  	[smem:$0x3FB5] =	sst s0;
	s0 =	simm.s32 @!p2 $0x0  }
0x16: {  	s3 =	sld [smem:$0x3FDB];
	s0 =	simm.s32 @p2 $0x1  }
0x17: {  	s4 =	simm.s32 $0x1BF5;
	[smem:$0x3FB7] =	sst s0  }
0x18: {  	s0 =	sld [smem:$0x3F9A];
	_ =	swait.ge [sflag:s4], $0x0  }
0x19: {  	s7 =	sld [smem:$0x3F9B]  }
0x1a: {  	s8 =	sadd.s32 $0xFFFFE003, lr  }
0x1b: {  	s9 =	sadd.s32 $0xFFFFFEF7, lr;
	s5 =	simm.s32 $0xFFFFFFFF;
	p2 =	slt.u32 s8, $0xFFFFF086  }
0x1c: {  	p1 =	slt.u32 s9, $0xF7A;
	s5 =	simm.s32 @!p2 $0x0  }
0x1d: {  	s5 =	simm.s32 @p1 $0x1;
	p0 =	seq.s32 s7, s2  }
0x1e: {  	s7 =	smul.u32 @!p0 $0xF7A, s2;
	p2 =	seq.s32 @!p0 s5, $0x0  }
0x1f: {  	s9 =	smul.u32 $0xF7A, s1;
	s8 =	simm.s32 @!p0 $0x1BF5;
	p2 =	por !p2, p0  }
0x20: {  	[sflag:s8] =	ssyncset.s32 @!p0 $0xFFFFF086;
	s6 =	sadd.s32 @!p0 s3, s7;
	s7 =	simm.s32 @!p0 $0x108  }
0x21: {  	s3 =	sadd.s32 s3, s9;
	s6 =	sadd.s32 @!p0 $0x88, s6;
	s7 =	simm.s32 @p2 $0x1082  }
0x22: {  	[simem:s7], [sflag:s8] =	dma.local @!p0 [hbm:s6], $0xF7A  }
0x23: {  	s9 =	sor.u32 $0xD0000000, s2;
	s6 =	simm.s32 $0x108;
	_ =	swait.ge @!p0 [sflag:s8], $0x0  }
0x24: {  	s3 =	sadd.s32 $0x88, s3;
	s6 =	simm.s32 @!p1 $0x1082;
	[sflag:s4] =	ssyncset.s32 $0xFFFFF086  }
0x25: {  	[simem:s6], [sflag:s4] =	dma.local [hbm:s3], $0xF7A  }
0x26: {  	[smem:$0x3F9B] =	sst s1;
	(tag) =	ssettag s2;
	_ =	strace s9  }
0x27: {  	s1 =	sld [smem:$0x3FAB]  }
0x28: {  	s2 =	sld [smem:$0x3FAC]  }
0x29: {  	s4 =	sld [smem:$0x3FAE]  }
0x2a: {  	p0 =	seq.s32 s5, $0x0;
	s5 =	sld [smem:$0x3FAF]  }
0x2b: {  	s6 =	sld [smem:$0x3FB0]  }
0x2c: {  	s7 =	sld [smem:$0x3FB1]  }
0x2d: {  	s3 =	simm.s32 $0x108;
	s8 =	sld [smem:$0x3FB2]  }
0x2e: {  	s3 =	simm.s32 @!p0 $0x1082;
	s9 =	sld [smem:$0x3FB3]  }
0x2f: {  	lr =	sadd.s32 s0, s3;
	s0 =	sld [smem:$0x3FAA]  }
0x30: {  	s3 =	sld [smem:$0x3FAD]  }
0x31: {  	[smem:$0x3FB6] =	sst s10  }
0x32: {  	s10 =	sld [smem:$0x3FB4];
	_ =	sdelay $0x3  }
0x33: {  	p0 =	seq.s32 s10, $0x1;
	s10 =	sld [smem:$0x3FB6];
	_ =	sdelay $0x3  }
0x34: {  	[smem:$0x3FB6] =	sst s10  }
0x35: {  	s10 =	sld [smem:$0x3FB5];
	_ =	sdelay $0x3  }
0x36: {  	p1 =	seq.s32 s10, $0x1;
	s10 =	sld [smem:$0x3FB6];
	_ =	sdelay $0x3  }
0x37: {  	[smem:$0x3FB6] =	sst s10  }
0x38: {  	s10 =	sld [smem:$0x3FB7]  }
0x39: {  	_ = 	snop;
	(pc) =	sbr.ind lr, $3  }
0x3a: {  	_ = 	snop  }
0x3b: {  	_ = 	snop  }
0x3c: {  	p2 =	seq.s32 s10, $0x1;
	s10 =	sld [smem:$0x3FB6]  }
0x3d: {  	_ =	shalt  }
0x3e: {  	_ =	shalt  }
0x3f: {  	_ =	shalt  }
0x40: {  	_ =	shalt  }
0x41: {  	_ =	shalt  }
0x42: {  	_ =	shalt  }
0x43: {  	_ =	shalt  }
0x44: {  	_ =	shalt  }
0x45: {  	_ =	shalt  }
0x46: {  	_ =	shalt  }
0x47: {  	_ =	shalt  }
0x48: {  	_ =	shalt  }
0x49: {  	_ =	shalt  }
0x4a: {  	_ =	shalt  }
0x4b: {  	_ =	shalt  }
0x4c: {  	_ =	shalt  }
0x4d: {  	_ =	shalt  }
0x4e: {  	_ =	shalt  }
0x4f: {  	_ =	shalt  }
0x50: {  	_ =	shalt  }
0x51: {  	_ =	shalt  }
0x52: {  	_ =	shalt  }
0x53: {  	_ =	shalt  }
0x54: {  	_ =	shalt  }
0x55: {  	_ =	shalt  }
0x56: {  	_ =	shalt  }
0x57: {  	_ =	shalt  }
0x58: {  	_ =	shalt  }
0x59: {  	_ =	shalt  }
0x5a: {  	_ =	shalt  }
0x5b: {  	_ =	shalt  }
0x5c: {  	_ =	shalt  }
0x5d: {  	_ =	shalt  }
0x5e: {  	_ =	shalt  }
0x5f: {  	_ =	shalt  }
0x60: {  	_ =	shalt  }
0x61: {  	_ =	shalt  }
0x62: {  	_ =	shalt  }
0x63: {  	_ =	shalt  }
0x64: {  	_ =	shalt  }
0x65: {  	_ =	shalt  }
0x66: {  	_ =	shalt  }
0x67: {  	_ =	shalt  }
0x68: {  	_ =	shalt  }
0x69: {  	_ =	shalt  }
0x6a: {  	_ =	shalt  }
0x6b: {  	_ =	shalt  }
0x6c: {  	_ =	shalt  }
0x6d: {  	_ =	shalt  }
0x6e: {  	_ =	shalt  }
0x6f: {  	_ =	shalt  }
0x70: {  	_ =	shalt  }
0x71: {  	_ =	shalt  }
0x72: {  	_ =	shalt  }
0x73: {  	_ =	shalt  }
0x74: {  	_ =	shalt  }
0x75: {  	_ =	shalt  }
0x76: {  	_ =	shalt  }
0x77: {  	_ =	shalt  }
0x78: {  	_ =	shalt  }
0x79: {  	_ =	shalt  }
0x7a: {  	_ =	shalt  }
0x7b: {  	_ =	shalt  }
0x7c: {  	_ =	shalt  }
0x7d: {  	_ =	shalt  }
0x7e: {  	_ =	shalt  }
0x7f: {  	_ =	shalt  }
0x80: {  	_ =	shalt  }
0x81: {  	_ =	shalt  }
0x82: {  	_ =	shalt  }
0x83: {  	_ =	shalt  }
0x84: {  	_ =	shalt  }
0x85: {  	_ =	shalt  }
0x86: {  	_ =	shalt  }
0x87: {  	_ =	shalt  }
.Lfunc_end0:
.L_simem_size_0:
called_computation_lowered:
.L_overlay_start_0:
0x88: {  	s2 =	sld [smem:$0x3FD9]  }
0x89: {  	s3 =	sld [smem:$0x3FFE];
	_ =	sdelay $0x1  }
0x8a: {  	s1 =	srdreg.scid  }
0x8b: {  	s0 =	sand.u32 $0x1, s1  }
0x8c: {  	s14 =	sshll.u32 s0, $0xA;
	s2 =	sadd.s32 s3, s2  }
0x8d: {  	s2 =	sadd.s32 s2, s14  }
0x8e: {  	[smem:$0x3FC2] =	sst s2  }
0x8f: {  	_ = 	snop  }
0x90: {  	s2 =	sld [smem:$0x3FD0];
	_ =	sdelay $0x2  }
0x91: {  	s15 =	simm.s32 $0xA;
	s4 =	simm.s32 $0x10  }
0x92: {  	[smem:s4], [sflag:s15] =	dma.local [hbm:s2], $0x1  }
0x93: {  	_ =	swait.eq [sflag:s15], $0x1  }
0x94: {  	[sflag:s15] =	ssyncset.done $0x0  }
0x95: {  	s16 =	sld [smem:$0x10];
	[sflag:s15] =	ssyncadd.s32 $0xFFFFFFFF  }
0x96: {  	s17 =	sld [smem:$0x11];
	(tm) =	ssettm $0x1  }
0x97: {  	s18 =	sld [smem:$0x3FFB];
	_ =	sdelay $0x3  }
0x98: {  	_ =	strace s18  }
0x99: {  	s4 =	sld [smem:$0x3FFC];
	_ =	sdelay $0x3  }
0x9a: {  	_ =	strace s4  }
0x9b: {  	s4 =	sld [smem:$0x3FFD];
	_ =	sdelay $0x3  }
0x9c: {  	_ =	strace s4  }
0x9d: {  	_ =	strace $0x8FFFFFFF  }
0x9e: {  	s19 =	sld [smem:$0x3FDB];
	_ =	sdelay $0x1  }
0x9f: {  	s5 =	simm.s32 $_scs_section_size  }
0xa0: {  	s6 =	simm.s32 $_size__tile_overlayer_lowered;
	s7 =	simm.s32 $_tile_overlayer_lowered  }
0xa1: {  	s22 =	simm.s32 $0x1BFF;
	s21 =	sshll.u32 s7, $0x1;
	s4 =	sadd.s32 s5, s19  }
0xa2: {  	s8 =	simm.s32 $0x0;
	s20 =	sshll.u32 s6, $0x1;
	s6 =	sadd.s32 s21, s4  }
0xa3: {  	[timem:s8], [sflag:s22] =	dma.local [hbm:s6], s20  }
0xa4: {  	_ =	swait.ge [sflag:s22], s20  }
0xa5: {  	s5 =	ssub.s32 $0x0, s20;
	[sflag:s22] =	ssyncset.done $0x0  }
0xa6: {  	[sflag:s22] =	ssyncadd.s32 s5;
	_ =	sdelay $0x1  }
0xa7: {  	s23 =	simm.s32 $0x1B8B  }
0xa8: {  	_ =	swait.ge [sflag:s23], $0x1  }
0xa9: {  	[sflag:s23] =	ssyncset.done $0x0  }
0xaa: {  	s25 =	simm.s32 $0x1B8E;
	s24 =	sld [smem:$0x3FFE];
	[sflag:s23] =	ssyncadd.s32 $0xFFFFFFFF  }
0xab: {  	s26 =	simm.s32 $execute0_lowered;
	[smem:$0x3FD2] =	sst s25  }
0xac: {  	s6 =	sshll.u32 s26, $0x1;
	_ =	strace $0x80000046;
	[dreg:$0x1] =	wrdreg $0xFFFFFFFF  }
0xad: {  	s28 =	simm.s32 $_size_execute0_lowered;
	s4 =	sadd.s32 s4, s6;
	[dreg:$0x0] =	wrdreg $0x0  }
0xae: {  	s6 =	sshll.u32 s28, $0x1;
	[dreg:$0x2] =	wrdreg s4  }
0xaf: {  	[dreg:$0x3] =	wrdreg s6  }
0xb0: {  	[dreg:$0x4] =	wrdreg $0xC0  }
0xb1: {  	_ =	task [dreg:s8], $0x5FFFF  }
0xb2: {  	[dreg:$0x1] =	wrdreg $0xFFFFFFFF  }
0xb3: {  	[dreg:$0x0] =	wrdreg $0x60  }
0xb4: {  	[dreg:$0x2] =	wrdreg s24  }
0xb5: {  	[dreg:$0x3] =	wrdreg s16  }
0xb6: {  	[dreg:$0x4] =	wrdreg s17  }
0xb7: {  	[dreg:$0x5] =	wrdreg $0x9  }
0xb8: {  	_ =	task.clear_ibuf [dreg:s8], $0x6FFFF;
	_ =	strace $0x90000046  }
0xb9: {  	s29 =	simm.s32 $0x9;
	_ =	strace $0x80000048  }
0xba: {  	_ =	swait.ge [sflag:s29], $0x1  }
0xbb: {  	[sflag:s29] =	ssyncadd.s32 $0xFFFFFFFF  }
0xbc: {  	_ =	strace $0x90000048  }
0xbd: {  	_ =	sfence  }
0xbe: {  	s30 =	sld [smem:$0x0];
	_ =	sdelay $0x2  }
0xbf: {  	s31 =	sshll.u32 s1, $0xD;
	s1 =	sshrl.u32 s1, $0x2  }
0xc0: {  	s3 =	sand.u32 $0x4000, s31;
	s1 =	sadd.s32 s1, s30  }
0xc1: {  	s0 =	sor.u32 s3, s0;
	s1 =	sshll.u32 s1, $0x11  }
0xc2: {  	s0 =	sor.u32 s1, s0  }
0xc3: {  	s0 =	sadd.s32 $0x8F2B, s0  }
0xc4: {  	[sflag:s0] =	ssyncadd.remote.s32 $0x1  }
0xc5: {  	_ =	sfence.sel $0xFFFF  }
0xc6: {  	[dreg:$0x0] =	wrdreg $0xFFFFFFFF;
	(pc) =	sbr.abs _section_cstart, $3  }
0xc7: {  	[dreg:$0x1] =	wrdreg $0xFFFFFFFF  }
0xc8: {  	_ =	task.clear_ibuf [dreg:s8], $0x2FFFF;
	_ =	strace $0x9FFFFFFF  }
0xc9: {  	(tm) =	ssettm $0x7FFFFFFF  }
tec
execute0_lowered:
.L_overlay_start_1:
0x0: {  	(tag) =	ssettag $0x1  }
0x1: {  	s0 =	rddreg [dreg:$0x0]  }
0x2: {  	s1 =	rddreg [dreg:$0x1]  }
0x3: {  	s5 =	rddreg [dreg:$0x2];
	s2 =	srdreg.scid  }
0x4: {  	s4 =	stileid.u32;
	s7 =	simm.s32 $0x800;
	s8 =	simm.s32 $0x10000  }
0x5: {  	s9 =	simm.s32 $0x1;
	s12 =	simm.s32 $0x0;
	s3 =	sand.u32 $0x1, s2  }
0x6: {  	s2 =	simm.s32 $0x0;
	s4 =	sshll.u32 s4, $0x9;
	s6 =	sshll.u32 s3, $0x8  }
0x7: {  	[smem:$0x7FF] =	sst s2;
	s3 =	ssub.s32 $0x2, s3;
	s4 =	sor.u32 s6, s4  }
0x8: {  	_ =	strace $0x80000047;
	s30 =	sshrl.u32 s3, $0x1;
	s0 =	sadd.s32 s4, s0  }
0x9: {  	s6 =	ssub.s32 s3, s30;
	s31 =	sshrl.u32 s4, $0x2;
	s4 =	sadd.s32 s1, s4  }
0xa: {  	v0 =	vimm.s32 $0x10;
	s3 =	sadd.s32 $0x1400, s0;
	s5 =	sadd.s32 s5, s31;
	s6 =	smax.u32 s6, $0x1  }
.LBB2_1:
0xb: {  	[tilespmem:s2], [sflag:$0x1] =	stream.strided.gather [hbm4b:s3+s7], $0x1000, s8, s7, $0x38;
	[tilespmem:$0x2200] =	vst v63  }
0xc: {  	s0 =	sand.u32 $0xFFFFFC00, s2;
	_ =	swait.ge [sflag:s9], $0x1000  }
0xd: {  	s13 =	sand.u32 $0x70, s2;
	s1 =	sand.u32 $0x7FFFFC00, s2;
	[sflag:s9] =	ssyncset.done $0x0  }
0xe: {  	s20 =	sadd.s32 $0x0, s0;
	s14 =	sor.u32 s13, s1;
	[sflag:s9] =	ssyncadd.s32 $0xFFFFF000  }
0xf: {  	s22 =	simm.s32 $0x80;
	s19 =	sor.u32 $0x80, s20;
	v1 =	vld [tilespmem:s14+$0x0]  }
0x10: {  	s23 =	simm.s32 $0x0;
	s15 =	sshrl.u32 s1, $0x2;
	s21 =	sor.u32 $0x800, s14;
	v3 =	vld [tilespmem:s19+$0x0]  }
0x11: {  	s18 =	sor.u32 $0x180, s20;
	s17 =	sor.u32 $0x280, s20;
	s16 =	sor.u32 $0x380, s20;
	v2 =	vld [tilespmem:s14+$0x100]  }
.LBB2_2:
0x12: {  	v5 =	vld [tilespmem:s18+$0x0]  }
0x13: {  	v6 =	vld [tilespmem:s14+$0x200]  }
0x14: {  	v7 =	vld [tilespmem:s17+$0x0]  }
0x15: {  	v8 =	vld [tilespmem:s14+$0x300];
	v19 =	vmax.f32 v1, v3  }
0x16: {  	v9 =	vld [tilespmem:s16+$0x0];
	v4 =	vmax.f32 v19, v2  }
0x17: {  	v10 =	vld [tilespmem:s21+$0x0];
	s28 =	sor.u32 $0x880, s20;
	v4 =	vmax.f32 v4, v5  }
0x18: {  	s11 =	sor.u32 $0x900, s14;
	v11 =	vld [tilespmem:s28+$0x0];
	v4 =	vmax.f32 v4, v6  }
0x19: {  	s29 =	sor.u32 $0x980, s20;
	v12 =	vld [tilespmem:s11+$0x0];
	v4 =	vmax.f32 v4, v7  }
0x1a: {  	s30 =	sor.u32 $0xA00, s14;
	v13 =	vld [tilespmem:s29+$0x0];
	v4 =	vmax.f32 v4, v8  }
0x1b: {  	v14 =	vld [tilespmem:s30+$0x0];
	s30 =	sor.u32 $0xA80, s20;
	v4 =	vmax.f32 v4, v9  }
0x1c: {  	s31 =	sor.u32 $0xB00, s14;
	v15 =	vld [tilespmem:s30+$0x0];
	v4 =	vmax.f32 v4, v10  }
0x1d: {  	v16 =	vld [tilespmem:s31+$0x0];
	s31 =	sor.u32 $0xB80, s20;
	v4 =	vmax.f32 v4, v11  }
0x1e: {  	v17 =	vld [tilespmem:s31+$0x0];
	v4 =	vmax.f32 v4, v12  }
0x1f: {  	v4 =	vmax.f32 v4, v13  }
0x20: {  	v4 =	vmax.f32 v4, v14  }
0x21: {  	v4 =	vmax.f32 v4, v15  }
0x22: {  	v4 =	vmax.f32 v4, v16  }
0x23: {  	v18 =	vmax.f32 v4, v17  }
0x24: {  	vm3 =	veq.f32 v17, v18  }
0x25: {  	vm4 =	veq.f32 v16, v18;
	v4 =	vsel vm3, $0xF, v0  }
0x26: {  	vm5 =	veq.f32 v15, v18;
	v4 =	vsel vm4, $0xE, v4  }
0x27: {  	vm6 =	veq.f32 v14, v18;
	v4 =	vsel vm5, $0xD, v4  }
0x28: {  	vm7 =	veq.f32 v13, v18;
	v4 =	vsel vm6, $0xC, v4  }
0x29: {  	vm8 =	veq.f32 v12, v18;
	v4 =	vsel vm7, $0xB, v4  }
0x2a: {  	vm12 =	veq.f32 v11, v18;
	v4 =	vsel vm8, $0xA, v4  }
0x2b: {  	vm13 =	veq.f32 v10, v18;
	v4 =	vsel vm12, $0x9, v4  }
0x2c: {  	vm14 =	veq.f32 v9, v18;
	v4 =	vsel vm13, $0x8, v4  }
0x2d: {  	vm2 =	veq.f32 v8, v18;
	v4 =	vsel vm14, $0x7, v4  }
0x2e: {  	vm0 =	veq.f32 v7, v18;
	v4 =	vsel vm2, $0x6, v4  }
0x2f: {  	vm1 =	veq.f32 v6, v18;
	v4 =	vsel vm0, $0x5, v4  }
0x30: {  	vm3 =	veq.f32 v5, v18;
	v4 =	vsel vm1, $0x4, v4  }
0x31: {  	vm4 =	veq.f32 v2, v18;
	v4 =	vsel vm3, $0x3, v4  }
0x32: {  	vm5 =	veq.f32 v3, v18;
	v4 =	vsel vm4, $0x2, v4  }
0x33: {  	vm15 =	veq.f32 v1, v18;
	v4 =	vsel vm5, $0x1, v4  }
0x34: {  	v4 =	vsel vm15, $0x0, v4  }
0x35: {  	v20 =	vimm.s32 $0x0;
	vm15 =	veq.s32 v4, $0x1  }
0x36: {  	v59 =	vimm.s32 $0x0;
	vm4 =	veq.s32 v4, $0x0;
	v20 =	vsel vm15, $0xFFFFFFFF, v20  }
0x37: {  	v60 =	vsel vm15, v1, v19;
	[tilespmem:$0x1FF30] =	vst v20;
	v20 =	vsel vm4, $0xFFFFFFFF, v59  }
0x38: {  	[tilespmem:$0x1FF00] =	vst v20;
	v20 =	vsel vm4, v3, v60  }
0x39: {  	vm5 =	veq.s32 v4, $0x2;
	v20 =	vmax.f32 v20, v2  }
0x3a: {  	v21 =	vimm.s32 $0x0;
	v61 =	vimm.s32 $0x0;
	v19 =	vsel vm5, v19, v20  }
0x3b: {  	v62 =	vimm.s32 $0x0;
	vm6 =	veq.s32 v4, $0x3;
	v19 =	vmax.f32 v19, v5  }
0x3c: {  	v63 =	vimm.s32 $0x0;
	v24 =	vimm.s32 $0x0;
	v20 =	vsel vm6, v20, v19  }
0x3d: {  	v25 =	vimm.s32 $0x0;
	vm7 =	veq.s32 v4, $0x4;
	v20 =	vmax.f32 v20, v6  }
0x3e: {  	v26 =	vimm.s32 $0x0;
	v27 =	vimm.s32 $0x0;
	v19 =	vsel vm7, v19, v20  }
0x3f: {  	v28 =	vimm.s32 $0x0;
	vm8 =	veq.s32 v4, $0x5;
	v19 =	vmax.f32 v19, v7  }
0x40: {  	v29 =	vimm.s32 $0x0;
	v30 =	vimm.s32 $0x0;
	v20 =	vsel vm8, v20, v19  }
0x41: {  	v31 =	vimm.s32 $0x0;
	vm9 =	veq.s32 v4, $0x6;
	v20 =	vmax.f32 v20, v8  }
0x42: {  	v32 =	vimm.s32 $0x0;
	v33 =	vimm.s32 $0x0;
	v19 =	vsel vm9, v19, v20  }
0x43: {  	v34 =	vimm.s32 $0x0;
	vm10 =	veq.s32 v4, $0x7;
	v19 =	vmax.f32 v19, v9  }
0x44: {  	v35 =	vimm.s32 $0x0;
	v21 =	vsel vm5, $0xFFFFFFFF, v21;
	v20 =	vsel vm10, v20, v19  }
0x45: {  	vm11 =	veq.s32 v4, $0x8;
	[tilespmem:$0x1FF10] =	vst v21;
	v21 =	vsel vm6, $0xFFFFFFFF, v61;
	v20 =	vmax.f32 v20, v10  }
0x46: {  	vm12 =	veq.s32 v4, $0x9;
	[tilespmem:$0x1FF50] =	vst v21;
	v21 =	vsel vm7, $0xFFFFFFFF, v62;
	v19 =	vsel vm11, v19, v20  }
0x47: {  	vm13 =	veq.s32 v4, $0xA;
	[tilespmem:$0x1FF40] =	vst v21;
	v21 =	vsel vm8, $0xFFFFFFFF, v63;
	v19 =	vmax.f32 v19, v11  }
0x48: {  	vm14 =	veq.s32 v4, $0xB;
	[tilespmem:$0x1FF60] =	vst v21;
	v21 =	vsel vm9, $0xFFFFFFFF, v24;
	v20 =	vsel vm12, v20, v19  }
0x49: {  	vm0 =	veq.s32 v4, $0xF;
	[tilespmem:$0x1FF20] =	vst v21;
	v21 =	vsel vm10, $0xFFFFFFFF, v25;
	v20 =	vmax.f32 v20, v12  }
0x4a: {  	vm3 =	vne.s32 v4, $0xD;
	[tilespmem:$0x1FF70] =	vst v21;
	v21 =	vsel vm11, $0xFFFFFFFF, v26;
	v19 =	vsel vm13, v19, v20  }
0x4b: {  	vm15 =	vne.s32 v4, $0x2;
	[tilespmem:$0x1FF80] =	vst v21;
	v21 =	vsel vm12, $0xFFFFFFFF, v27;
	v19 =	vmax.f32 v19, v13  }
0x4c: {  	vm4 =	vne.s32 v4, $0x3;
	[tilespmem:$0x1FF90] =	vst v21;
	v21 =	vsel vm13, $0xFFFFFFFF, v28;
	v20 =	vsel vm14, v20, v19  }
0x4d: {  	vm5 =	veq.s32 v4, $0xC;
	[tilespmem:$0x1FFA0] =	vst v21;
	v21 =	vsel vm14, $0xFFFFFFFF, v29;
	v20 =	vmax.f32 v20, v14  }
0x4e: {  	vm6 =	veq.s32 v4, $0xD;
	[tilespmem:$0x1FFB0] =	vst v21;
	v21 =	vsel vm15, $0xFFFFFFFF, v30;
	v19 =	vsel vm5, v19, v20  }
0x4f: {  	vm7 =	veq.s32 v4, $0xE;
	[tilespmem:$0x1FEF0] =	vst v21;
	v21 =	vsel vm4, $0xFFFFFFFF, v31;
	v19 =	vmax.f32 v19, v15  }
0x50: {  	vm8 =	vne.s32 v4, $0xB;
	[tilespmem:$0x1FEE0] =	vst v21;
	v21 =	vsel vm5, $0xFFFFFFFF, v32;
	v20 =	vsel vm6, v20, v19  }
0x51: {  	vm4 =	vne.s32 v4, $0xE;
	[tilespmem:$0x1FFC0] =	vst v21;
	v21 =	vsel vm6, $0xFFFFFFFF, v33;
	v20 =	vmax.f32 v20, v16  }
0x52: {  	vm9 =	vne.s32 v4, $0xA;
	[tilespmem:$0x1FFD0] =	vst v21;
	v21 =	vsel vm7, $0xFFFFFFFF, v34;
	v19 =	vsel vm7, v19, v20  }
0x53: {  	vm10 =	vne.s32 v4, $0x9;
	[tilespmem:$0x1FFE0] =	vst v21;
	v21 =	vsel vm0, $0xFFFFFFFF, v35;
	v19 =	vmax.f32 v19, v17  }
0x54: {  	vm11 =	vne.s32 v4, $0x8;
	vm12 =	vne.s32 v4, $0x7;
	v19 =	vsel vm0, v20, v19  }
0x55: {  	vm6 =	vne.s32 v4, $0xC;
	vm7 =	vne.s32 v4, $0xF;
	vm5 =	veq.f32 v13, v19  }
0x56: {  	vm0 =	veq.f32 v17, v19;
	v36 =	vsub.f32 v19, v18;
	vm2 =	veq.f32 v14, v19  }
0x57: {  	vm1 =	veq.f32 v16, v19;
	vm0 =	vmand vm7, vm0;
	vm7 =	veq.f32 v15, v19  }
0x58: {  	vm1 =	vmand vm4, vm1;
	vm2 =	vmand vm6, vm2;
	vm4 =	vmand vm8, vm5  }
0x59: {  	vm8 =	veq.f32 v11, v19;
	v37 =	vsel vm0, $0xF, v0;
	v13 =	vmul.f32 $1.442695020e+00, v36  }
0x5a: {  	vm0 =	veq.f32 v3, v19;
	vm3 =	vmand vm3, vm7;
	v3 =	vsel vm1, $0xE, v37  }
0x5b: {  	vm1 =	veq.f32 v12, v19;
	(erf) = vpow2.f32 v13;
	v3 =	vsel vm3, $0xD, v3  }
0x5c: {  	vm1 =	vmand vm9, vm1;
	vm9 =	veq.f32 v10, v19;
	v3 =	vsel vm2, $0xC, v3  }
0x5d: {  	vm3 =	vmand vm10, vm8;
	vm10 =	veq.f32 v9, v19;
	v3 =	vsel vm4, $0xB, v3  }
0x5e: {  	vm4 =	vmand vm12, vm10;
	vm12 =	veq.f32 v2, v19;
	v2 =	vld [tilespmem:$0x1FEE0];
	v3 =	vsel vm1, $0xA, v3  }
0x5f: {  	vm13 =	vne.s32 v4, $0x6;
	vm2 =	vmand vm11, vm9;
	v3 =	vsel vm3, $0x9, v3  }
0x60: {  	vm14 =	vne.s32 v4, $0x5;
	vm8 =	veq.f32 v8, v19;
	v3 =	vsel vm2, $0x8, v3  }
0x61: {  	vm9 =	veq.f32 v7, v19;
	vm1 =	vmand vm13, vm8;
	v38 =	vsel vm4, $0x7, v3  }
0x62: {  	vm11 =	veq.f32 v5, v19;
	vm3 =	vmand vm14, vm9;
	v5 =	vsel vm1, $0x6, v38  }
0x63: {  	vm13 =	vnez.u8 v2;
	v2 =	vsel vm3, $0x5, v5;
	v5 =	vld [tilespmem:$0x1FEF0];
	_ =	sdelay $0x3  }
0x64: {  	v3 =	vpop (erf)  }
0x65: {  	vm14 =	vnez.u8 v5;
	v5 =	vadd.f32 $1.000000000e+00, v3;
	_ =	sdelay $0x1  }
0x66: {  	(erf) = vrcp.f32 v5;
	_ =	sdelay $0x3  }
0x67: {  	vm15 =	vne.s32 v4, $0x4;
	vm10 =	veq.f32 v6, v19  }
0x68: {  	vm2 =	vmand vm15, vm10  }
0x69: {  	vm6 =	vne.s32 v4, $0x1;
	vm4 =	vmand vm13, vm11;
	v2 =	vsel vm2, $0x4, v2  }
0x6a: {  	v40 =	vld [tilespmem:$0x1FF00];
	vm15 =	veq.f32 v1, v19;
	v1 =	vsel vm4, $0x3, v2;
	vm1 =	vmand vm14, vm12  }
0x6b: {  	vm7 =	vne.s32 v4, $0x0;
	vm0 =	vmand vm6, vm0;
	v1 =	vsel vm1, $0x2, v1  }
0x6c: {  	v45 =	vld [tilespmem:$0x1FF30];
	v1 =	vsel vm0, $0x1, v1;
	vm0 =	vmand vm7, vm15;
	v2 =	vpop (erf)  }
0x6d: {  	v1 =	vsel vm0, $0x0, v1;
	v3 =	vmul.f32 v2, v3  }
0x6e: {  	vm0 =	veq.s32 v1, $0x0  }
0x6f: {  	vm11 =	vnez.u8 v40;
	v5 =	vnsel vm0, $0x0, v3  }
0x70: {  	vm8 =	veq.s32 v1, $0x1;
	v5 =	vsel vm11, v2, v5  }
0x71: {  	vm6 =	vnez.u8 v45;
	[tilespmem:s14+$0x1000] =	vst v5;
	v5 =	vnsel vm8, $0x0, v3  }
0x72: {  	v41 =	vld [tilespmem:$0x1FF10];
	v5 =	vsel vm6, v2, v5  }
0x73: {  	[tilespmem:s19+$0x1000] =	vst v5;
	v5 =	vld [tilespmem:$0x1FF50];
	_ =	sdelay $0x2  }
0x74: {  	v47 =	vld [tilespmem:$0x1FF40];
	vm9 =	veq.s32 v1, $0x2  }
0x75: {  	vm12 =	vnez.u8 v41;
	vm13 =	veq.s32 v1, $0x3;
	v39 =	vnsel vm9, $0x0, v3  }
0x76: {  	v49 =	vld [tilespmem:$0x1FF60];
	v46 =	vnsel vm13, $0x0, v3;
	v6 =	vsel vm12, v2, v39;
	vm8 =	vnez.u8 v5  }
0x77: {  	v44 =	vld [tilespmem:$0x1FF20];
	[tilespmem:s14+$0x1100] =	vst v6;
	v5 =	vsel vm8, v2, v46  }
0x78: {  	[tilespmem:s18+$0x1000] =	vst v5;
	v5 =	vld [tilespmem:$0x1FF70]  }
0x79: {  	vm7 =	vnez.u8 v47;
	vm10 =	veq.s32 v1, $0x6;
	vm14 =	veq.s32 v1, $0x4  }
0x7a: {  	vm15 =	veq.s32 v1, $0x5;
	v42 =	vnsel vm10, $0x0, v3;
	v43 =	vnsel vm14, $0x0, v3  }
0x7b: {  	v54 =	vld [tilespmem:$0x1FF90];
	v48 =	vnsel vm15, $0x0, v3;
	vm10 =	vnez.u8 v49;
	v8 =	vsel vm7, v2, v43  }
0x7c: {  	v52 =	vld [tilespmem:$0x1FF80];
	vm5 =	vnez.u8 v44;
	vm9 =	veq.s32 v1, $0x7;
	v6 =	vsel vm10, v2, v48;
	[tilespmem:s14+$0x1200] =	vst v8  }
0x7d: {  	v7 =	vsel vm5, v2, v42;
	v50 =	vnsel vm9, $0x0, v3;
	[tilespmem:s17+$0x1000] =	vst v6;
	vm12 =	vnez.u8 v5  }
0x7e: {  	v56 =	vld [tilespmem:$0x1FFA0];
	[tilespmem:s14+$0x1300] =	vst v7;
	v5 =	vsel vm12, v2, v50  }
0x7f: {  	[tilespmem:s16+$0x1000] =	vst v5;
	v5 =	vld [tilespmem:$0x1FFB0]  }
0x80: {  	vm4 =	vnez.u8 v54;
	vm13 =	veq.s32 v1, $0x9;
	vm11 =	veq.s32 v1, $0x8  }
0x81: {  	vm14 =	vnez.u8 v52;
	vm15 =	veq.s32 v1, $0xA;
	v51 =	vnsel vm11, $0x0, v3  }
0x82: {  	[tilespmem:$0x1FFF0] =	vst v21;
	v53 =	vnsel vm13, $0x0, v3;
	v55 =	vnsel vm15, $0x0, v3;
	v8 =	vsel vm14, v2, v51  }
0x83: {  	v59 =	vld [tilespmem:$0x1FFC0];
	vm5 =	veq.s32 v1, $0xB;
	vm6 =	vnez.u8 v56;
	v6 =	vsel vm4, v2, v53;
	[tilespmem:s14+$0x1800] =	vst v8  }
0x84: {  	v61 =	vld [tilespmem:$0x1FFD0];
	v57 =	vnsel vm5, $0x0, v3;
	v7 =	vsel vm6, v2, v55;
	[tilespmem:s28+$0x1000] =	vst v6;
	vm8 =	vnez.u8 v5  }
0x85: {  	v63 =	vld [tilespmem:$0x1FFE0];
	[tilespmem:s14+$0x1900] =	vst v7;
	v5 =	vsel vm8, v2, v57  }
0x86: {  	[tilespmem:s29+$0x1000] =	vst v5;
	v5 =	vld [tilespmem:$0x1FFF0]  }
0x87: {  	vm7 =	veq.s32 v1, $0xC;
	vm9 =	veq.s32 v1, $0xD;
	vm13 =	veq.s32 v1, $0xF  }
0x88: {  	v58 =	vnsel vm7, $0x0, v3;
	v60 =	vnsel vm9, $0x0, v3;
	vm10 =	vnez.u8 v59  }
0x89: {  	vm11 =	veq.s32 v1, $0xE;
	vm12 =	vnez.u8 v61;
	v8 =	vsel vm10, v2, v58  }
0x8a: {  	p0 =	sne.s32 s22, $0x780;
	v62 =	vnsel vm11, $0x0, v3;
	vm14 =	vnez.u8 v63;
	v6 =	vsel vm12, v2, v60;
	[tilespmem:s14+$0x1A00] =	vst v8  }
0x8b: {  	s23 =	sadd.s32 $0x10, s23;
	s0 =	smov.u32 s22;
	s22 =	sadd.s32 $0x80, s22;
	v3 =	vnsel vm13, $0x0, v3;
	v7 =	vsel vm14, v2, v62;
	[tilespmem:s30+$0x1000] =	vst v6;
	vm15 =	vnez.u8 v5  }
0x8c: {  	s1 =	sand.u32 $0xFFFFFC00, s0;
	s24 =	sand.u32 $0x70, s23;
	s0 =	sand.u32 $0x7FFFFC00, s0;
	[tilespmem:s14+$0x1B00] =	vst v7;
	v2 =	vsel vm15, v2, v3  }
0x8d: {  	s10 =	sadd.s32 s1, s23;
	s26 =	sor.u32 s24, s0;
	[tilespmem:s31+$0x1000] =	vst v2;
	s31 =	sor.u32 s13, s15  }
.Ltmp0:
0x8e: {  	s25 =	sshrl.u32 s0, $0x2;
	s1 =	sor.u32 $0x80, s10;
	[tilespmem:s31+$0x2000] =	vst v4;
	(pc) =	sbr.rel @p0 .LBB2_2-.Ltmp0, $4  }
0x8f: {  	s21 =	sor.u32 $0x800, s26;
	s0 =	sor.u32 $0x180, s10;
	s14 =	smov.u32 s26;
	[tilespmem:s31+$0x2080] =	vst v1  }
0x90: {  	s11 =	sor.u32 $0x280, s10;
	s20 =	smov.u32 s10;
	s19 =	smov.u32 s1;
	v1 =	vld [tilespmem:s14+$0x0]  }
0x91: {  	s10 =	sor.u32 $0x380, s20;
	s18 =	smov.u32 s0;
	s17 =	smov.u32 s11;
	v3 =	vld [tilespmem:s19+$0x0]  }
0x92: {  	s16 =	smov.u32 s10;
	s13 =	smov.u32 s24;
	s15 =	smov.u32 s25;
	v2 =	vld [tilespmem:s14+$0x100]  }
0x93: {  	v5 =	vld [tilespmem:s18+$0x0]  }
0x94: {  	v6 =	vld [tilespmem:s14+$0x200]  }
0x95: {  	v7 =	vld [tilespmem:s17+$0x0]  }
0x96: {  	v8 =	vld [tilespmem:s14+$0x300];
	v11 =	vmax.f32 v1, v3  }
0x97: {  	v9 =	vld [tilespmem:s16+$0x0];
	v4 =	vmax.f32 v11, v2  }
0x98: {  	v10 =	vld [tilespmem:s21+$0x0];
	s10 =	sor.u32 $0x880, s20;
	v4 =	vmax.f32 v4, v5  }
0x99: {  	s0 =	sor.u32 $0x900, s14;
	v12 =	vld [tilespmem:s10+$0x0];
	v4 =	vmax.f32 v4, v6  }
0x9a: {  	s1 =	sor.u32 $0x980, s20;
	v13 =	vld [tilespmem:s0+$0x0];
	v4 =	vmax.f32 v4, v7  }
0x9b: {  	s25 =	sor.u32 $0xA00, s14;
	v14 =	vld [tilespmem:s1+$0x0];
	v4 =	vmax.f32 v4, v8  }
0x9c: {  	s26 =	sor.u32 $0xA80, s20;
	v15 =	vld [tilespmem:s25+$0x0];
	v4 =	vmax.f32 v4, v9  }
0x9d: {  	s11 =	sor.u32 $0xB00, s14;
	v16 =	vld [tilespmem:s26+$0x0];
	v4 =	vmax.f32 v4, v10  }
0x9e: {  	s28 =	sor.u32 $0xB80, s20;
	v17 =	vld [tilespmem:s11+$0x0];
	v4 =	vmax.f32 v4, v12  }
0x9f: {  	v18 =	vld [tilespmem:s28+$0x0];
	v4 =	vmax.f32 v4, v13  }
0xa0: {  	v4 =	vmax.f32 v4, v14  }
0xa1: {  	v4 =	vmax.f32 v4, v15  }
0xa2: {  	v4 =	vmax.f32 v4, v16  }
0xa3: {  	v4 =	vmax.f32 v4, v17  }
0xa4: {  	v19 =	vmax.f32 v4, v18  }
0xa5: {  	vm0 =	veq.f32 v18, v19  }
0xa6: {  	vm1 =	veq.f32 v17, v19;
	v61 =	vsel vm0, $0xF, v0  }
0xa7: {  	vm14 =	veq.f32 v16, v19;
	v4 =	vsel vm1, $0xE, v61  }
0xa8: {  	vm15 =	veq.f32 v15, v19;
	v4 =	vsel vm14, $0xD, v4  }
0xa9: {  	vm4 =	veq.f32 v14, v19;
	v4 =	vsel vm15, $0xC, v4  }
0xaa: {  	vm5 =	veq.f32 v13, v19;
	v4 =	vsel vm4, $0xB, v4  }
0xab: {  	vm6 =	veq.f32 v12, v19;
	v4 =	vsel vm5, $0xA, v4  }
0xac: {  	vm7 =	veq.f32 v10, v19;
	v4 =	vsel vm6, $0x9, v4  }
0xad: {  	vm8 =	veq.f32 v9, v19;
	v4 =	vsel vm7, $0x8, v4  }
0xae: {  	vm9 =	veq.f32 v8, v19;
	v4 =	vsel vm8, $0x7, v4  }
0xaf: {  	vm10 =	veq.f32 v7, v19;
	v4 =	vsel vm9, $0x6, v4  }
0xb0: {  	vm11 =	veq.f32 v6, v19;
	v4 =	vsel vm10, $0x5, v4  }
0xb1: {  	vm12 =	veq.f32 v5, v19;
	v4 =	vsel vm11, $0x4, v4  }
0xb2: {  	vm13 =	veq.f32 v2, v19;
	v4 =	vsel vm12, $0x3, v4  }
0xb3: {  	vm14 =	veq.f32 v3, v19;
	v4 =	vsel vm13, $0x2, v4  }
0xb4: {  	vm15 =	veq.f32 v1, v19;
	v4 =	vsel vm14, $0x1, v4  }
0xb5: {  	v4 =	vsel vm15, $0x0, v4  }
0xb6: {  	vm11 =	veq.s32 v4, $0x1  }
0xb7: {  	vm15 =	veq.s32 v4, $0x0;
	v20 =	vsel vm11, v1, v11  }
0xb8: {  	v20 =	vsel vm15, v3, v20  }
0xb9: {  	vm14 =	veq.s32 v4, $0x2;
	v20 =	vmax.f32 v20, v2  }
0xba: {  	v11 =	vsel vm14, v11, v20  }
0xbb: {  	vm12 =	veq.s32 v4, $0x3;
	v11 =	vmax.f32 v11, v5  }
0xbc: {  	v20 =	vsel vm12, v20, v11  }
0xbd: {  	vm13 =	veq.s32 v4, $0x4;
	v20 =	vmax.f32 v20, v6  }
0xbe: {  	v11 =	vsel vm13, v11, v20  }
0xbf: {  	vm9 =	veq.s32 v4, $0x5;
	v11 =	vmax.f32 v11, v7  }
0xc0: {  	v20 =	vsel vm9, v20, v11  }
0xc1: {  	vm10 =	veq.s32 v4, $0x6;
	v20 =	vmax.f32 v20, v8  }
0xc2: {  	v11 =	vsel vm10, v11, v20  }
0xc3: {  	vm8 =	veq.s32 v4, $0x7;
	v11 =	vmax.f32 v11, v9  }
0xc4: {  	v20 =	vsel vm8, v20, v11  }
0xc5: {  	vm7 =	veq.s32 v4, $0x8;
	v20 =	vmax.f32 v20, v10  }
0xc6: {  	v11 =	vsel vm7, v11, v20  }
0xc7: {  	vm6 =	veq.s32 v4, $0x9;
	v11 =	vmax.f32 v11, v12  }
0xc8: {  	v20 =	vsel vm6, v20, v11  }
0xc9: {  	vm5 =	veq.s32 v4, $0xA;
	v20 =	vmax.f32 v20, v13  }
0xca: {  	v11 =	vsel vm5, v11, v20  }
0xcb: {  	vm4 =	veq.s32 v4, $0xB;
	v11 =	vmax.f32 v11, v14  }
0xcc: {  	v21 =	vimm.s32 $0x0;
	v20 =	vsel vm4, v20, v11  }
0xcd: {  	v21 =	vsel vm4, $0xFFFFFFFF, v21;
	vm4 =	veq.s32 v4, $0xC;
	v20 =	vmax.f32 v20, v15  }
0xce: {  	v62 =	vimm.s32 $0x0;
	v11 =	vsel vm4, v11, v20  }
0xcf: {  	[tilespmem:$0x1FE90] =	vst v21;
	v21 =	vsel vm4, $0xFFFFFFFF, v62;
	vm4 =	veq.s32 v4, $0xD;
	v11 =	vmax.f32 v11, v16  }
0xd0: {  	v63 =	vimm.s32 $0x0;
	v20 =	vsel vm4, v20, v11  }
0xd1: {  	[tilespmem:$0x1FEA0] =	vst v21;
	v21 =	vsel vm4, $0xFFFFFFFF, v63;
	vm4 =	veq.s32 v4, $0xE;
	v20 =	vmax.f32 v20, v17  }
0xd2: {  	v24 =	vimm.s32 $0x0;
	v11 =	vsel vm4, v11, v20  }
0xd3: {  	[tilespmem:$0x1FEB0] =	vst v21;
	v21 =	vsel vm4, $0xFFFFFFFF, v24;
	vm4 =	veq.s32 v4, $0xF;
	v11 =	vmax.f32 v11, v18  }
0xd4: {  	v11 =	vsel vm4, v20, v11  }
0xd5: {  	v19 =	vsub.f32 v11, v19  }
0xd6: {  	v25 =	vimm.s32 $0x0;
	vm0 =	vne.s32 v4, $0xF;
	vm1 =	vne.s32 v4, $0xE  }
0xd7: {  	[tilespmem:$0x1FEC0] =	vst v21;
	v21 =	vsel vm4, $0xFFFFFFFF, v25;
	vm4 =	veq.f32 v18, v11;
	v19 =	vmul.f32 $1.442695020e+00, v19  }
0xd8: {  	vm2 =	vmand vm0, vm4;
	vm4 =	veq.f32 v17, v11;
	vm0 =	veq.f32 v15, v11  }
0xd9: {  	v26 =	vsel vm2, $0xF, v0;
	vm3 =	vmand vm1, vm4;
	(erf) = vpow2.f32 v19  }
0xda: {  	vm1 =	vne.s32 v4, $0xC;
	vm2 =	vne.s32 v4, $0xD;
	vm4 =	veq.f32 v16, v11  }
0xdb: {  	vm2 =	vmand vm2, vm4;
	vm0 =	vmand vm1, vm0;
	v27 =	vsel vm3, $0xE, v26  }
0xdc: {  	vm1 =	vne.s32 v4, $0xB;
	vm4 =	veq.f32 v14, v11;
	vm3 =	veq.f32 v13, v11  }
0xdd: {  	v15 =	vsel vm2, $0xD, v27;
	vm1 =	vmand vm1, vm4;
	vm2 =	vne.s32 v4, $0xA  }
0xde: {  	vm4 =	veq.f32 v12, v11;
	v28 =	vsel vm0, $0xC, v15;
	vm0 =	vne.s32 v4, $0x9  }
0xdf: {  	vm2 =	vmand vm2, vm3;
	vm0 =	vmand vm0, vm4  }
0xe0: {  	v29 =	vsel vm1, $0xB, v28;
	vm1 =	vne.s32 v4, $0x8;
	vm4 =	veq.f32 v10, v11  }
0xe1: {  	vm3 =	veq.f32 v7, v11;
	v12 =	vsel vm2, $0xA, v29;
	vm1 =	vmand vm1, vm4  }
0xe2: {  	vm4 =	veq.f32 v9, v11;
	v30 =	vsel vm0, $0x9, v12;
	vm0 =	vne.s32 v4, $0x7;
	v31 =	vpop (erf)  }
0xe3: {  	vm2 =	vne.s32 v4, $0x5;
	vm0 =	vmand vm0, vm4;
	v32 =	vadd.f32 $1.000000000e+00, v31  }
0xe4: {  	v33 =	vsel vm1, $0x8, v30;
	vm1 =	vne.s32 v4, $0x6;
	vm4 =	veq.f32 v8, v11  }
0xe5: {  	vm2 =	vmand vm2, vm3;
	vm1 =	vmand vm1, vm4;
	(erf) = vrcp.f32 v32  }
0xe6: {  	v34 =	vsel vm0, $0x7, v33;
	vm0 =	vne.s32 v4, $0x4;
	vm4 =	veq.f32 v6, v11  }
0xe7: {  	vm3 =	veq.f32 v2, v11;
	vm0 =	vmand vm0, vm4;
	v35 =	vsel vm1, $0x6, v34  }
0xe8: {  	vm1 =	vne.s32 v4, $0x3;
	vm4 =	veq.f32 v5, v11;
	v6 =	vsel vm2, $0x5, v35  }
0xe9: {  	vm1 =	vmand vm1, vm4;
	v36 =	vsel vm0, $0x4, v6;
	vm0 =	vne.s32 v4, $0x2  }
0xea: {  	vm0 =	vmand vm0, vm3;
	v2 =	vsel vm1, $0x3, v36  }
0xeb: {  	v2 =	vsel vm0, $0x2, v2  }
0xec: {  	vm2 =	veq.f32 v3, v11;
	vm4 =	vne.s32 v4, $0x1  }
0xed: {  	vm1 =	vmand vm4, vm2;
	vm4 =	vne.s32 v4, $0x0;
	vm0 =	veq.f32 v1, v11  }
0xee: {  	v1 =	vsel vm1, $0x1, v2;
	vm0 =	vmand vm4, vm0;
	v2 =	vpop (erf)  }
0xef: {  	v1 =	vsel vm0, $0x0, v1;
	v3 =	vmul.f32 v2, v31  }
0xf0: {  	vm0 =	veq.s32 v1, $0x0;
	vm4 =	veq.s32 v1, $0x1  }
0xf1: {  	v37 =	vnsel vm0, $0x0, v3;
	v38 =	vnsel vm4, $0x0, v3;
	vm4 =	veq.s32 v1, $0x2  }
0xf2: {  	v5 =	vsel vm15, v2, v37;
	v39 =	vnsel vm4, $0x0, v3  }
0xf3: {  	[tilespmem:$0x1FED0] =	vst v21;
	v40 =	vsel vm11, v2, v38;
	vm15 =	veq.s32 v1, $0x3;
	vm4 =	veq.s32 v1, $0x4  }
0xf4: {  	vm11 =	veq.s32 v1, $0x5;
	[tilespmem:s14+$0x1000] =	vst v5;
	v41 =	vsel vm14, v2, v39;
	v42 =	vnsel vm15, $0x0, v3  }
0xf5: {  	v43 =	vnsel vm4, $0x0, v3;
	v44 =	vnsel vm11, $0x0, v3;
	vm14 =	veq.s32 v1, $0x8;
	[tilespmem:s19+$0x1000] =	vst v40  }
0xf6: {  	vm15 =	veq.s32 v1, $0x9;
	vm4 =	veq.s32 v1, $0xA;
	v7 =	vsel vm12, v2, v42;
	[tilespmem:s14+$0x1100] =	vst v41  }
0xf7: {  	vm11 =	veq.s32 v1, $0xE;
	v5 =	vsel vm13, v2, v43;
	vm12 =	veq.s32 v1, $0x6;
	[tilespmem:s18+$0x1000] =	vst v7  }
0xf8: {  	v56 =	vld [tilespmem:$0x1FE90];
	v6 =	vsel vm9, v2, v44;
	vm13 =	veq.s32 v1, $0x7;
	v45 =	vnsel vm12, $0x0, v3;
	[tilespmem:s14+$0x1200] =	vst v5  }
0xf9: {  	v58 =	vld [tilespmem:$0x1FEA0];
	v49 =	vnsel vm14, $0x0, v3;
	v47 =	vnsel vm13, $0x0, v3;
	v46 =	vsel vm10, v2, v45;
	[tilespmem:s17+$0x1000] =	vst v6  }
0xfa: {  	v60 =	vld [tilespmem:$0x1FEB0];
	v51 =	vnsel vm15, $0x0, v3;
	v53 =	vnsel vm4, $0x0, v3;
	v48 =	vsel vm8, v2, v47;
	[tilespmem:s14+$0x1300] =	vst v46  }
0xfb: {  	v62 =	vld [tilespmem:$0x1FEC0];
	vm9 =	veq.s32 v1, $0xD;
	v61 =	vnsel vm11, $0x0, v3;
	v50 =	vsel vm7, v2, v49;
	[tilespmem:s16+$0x1000] =	vst v48  }
0xfc: {  	v63 =	vld [tilespmem:$0x1FED0];
	v52 =	vsel vm6, v2, v51;
	vm6 =	veq.s32 v1, $0xB;
	v54 =	vsel vm5, v2, v53;
	[tilespmem:s14+$0x1800] =	vst v50  }
0xfd: {  	vm7 =	veq.s32 v1, $0xC;
	v55 =	vnsel vm6, $0x0, v3;
	vm8 =	vnez.u8 v56;
	[tilespmem:s10+$0x1000] =	vst v52  }
0xfe: {  	v57 =	vnsel vm7, $0x0, v3;
	vm10 =	vnez.u8 v58;
	v6 =	vsel vm8, v2, v55;
	[tilespmem:s14+$0x1900] =	vst v54  }
0xff: {  	v59 =	vnsel vm9, $0x0, v3;
	vm12 =	vnez.u8 v60;
	v5 =	vsel vm10, v2, v57;
	[tilespmem:s1+$0x1000] =	vst v6  }
0x100: {  	vm14 =	vnez.u8 v62;
	vm13 =	veq.s32 v1, $0xF;
	v6 =	vsel vm12, v2, v59;
	[tilespmem:s14+$0x1A00] =	vst v5  }
0x101: {  	vm15 =	vnez.u8 v63;
	v3 =	vnsel vm13, $0x0, v3;
	v5 =	vsel vm14, v2, v61;
	[tilespmem:s26+$0x1000] =	vst v6  }
0x102: {  	v2 =	vsel vm15, v2, v3;
	[tilespmem:s14+$0x1B00] =	vst v5  }
0x103: {  	s29 =	sor.u32 s13, s15;
	[tilespmem:s28+$0x1000] =	vst v2  }
0x104: {  	[tilespmem:s29+$0x2000] =	vst v4  }
0x105: {  	s30 =	simm.s32 $0x1000;
	[tilespmem:s29+$0x2080] =	vst v1  }
0x106: {  	[hbm4b:s4+s7] =	stream.strided.scatter [tilespmem:s30], [sflag:$0x1], $0x1000, s8, s7, $0x38;
	[tilespmem:$0x2200] =	vst v63  }
0x107: {  	s12 =	sadd.s32 $0x1, s12;
	_ =	swait.ge [sflag:s9], $0x1000  }
0x108: {  	p0 =	sne.s32 s12, s6;
	[sflag:s9] =	ssyncset.done $0x0  }
.Ltmp1:
0x109: {  	s31 =	simm.s32 $0x2000;
	[sflag:s9] =	ssyncadd.s32 $0xFFFFF000;
	(pc) =	sbr.rel @p0 .LBB2_1-.Ltmp1, $4  }
0x10a: {  	[hbm4b:s5+s2] =	stream.linear.scatter [tilespmem:s31], [sflag:$0x1], $0x200, $0x38;
	[tilespmem:$0x2200] =	vst v63  }
0x10b: {  	_ =	swait.ge [sflag:s9], $0x200  }
0x10c: {  	[sflag:s9] =	ssyncset.done $0x0  }
0x10d: {  	[sflag:s9] =	ssyncadd.s32 $0xFFFFFE00  }
0x10e: {  	_ =	sfence.sel $0x180000  }
0x10f: {  	[bflag:$0x0] =	sbarrier.arrive $0xFFFF  }
0x110: {  	_ =	strace $0x90000047  }
0x111: {  	s0 =	stileid.u32;
	[bflag:$0x2] =	sbarrier.arrive $0xFFFF  }
0x112: {  	p0 =	sne.s32 s0, $0x0;
	s0 =	rddreg [dreg:$0x3]  }
0x113: {  	s0 =	sadd.s32 @!p0 $0x100000, s0  }
0x114: {  	[sflag:s0] =	ssyncadd.tile.s32 @!p0 $0x1;
	_ =	shalt  }
.Lfunc_end2:
_tile_overlayer_lowered:
.L_overlay_start_2:
0x115: {  	(tag) =	ssettag $0x2  }
0x116: {  	s0 =	rddreg [dreg:$0x0];
	s2 =	stileid.u32  }
0x117: {  	s1 =	rddreg [dreg:$0x1];
	p0 =	sne.s32 s2, $0x0  }
0x118: {  	s3 =	rddreg [dreg:$0x2];
	[bflag:$0x3] =	sbarrier.arrive $0xFFFF;
	s2 =	simm.s32 @!p0 $0x1C01  }
0x119: {  	[timem:s3], [sflag:s2] =	dma.local @!p0 [hbm:s0], s1  }
0x11a: {  	s0 =	simm.s32 @!p0 $0x1  }
0x11b: {  	_ =	swait.ge @!p0 [sflag:s0], s1  }
0x11c: {  	s1 =	ssub.s32 @!p0 $0x0, s1;
	[sflag:s0] =	ssyncset.done @!p0 $0x0  }
0x11d: {  	[sflag:s0] =	ssyncadd.s32 @!p0 s1  }
0x11e: {  	[bflag:$0x3] =	sbarrier.arrive $0xFFFF  }
0x11f: {  	_ =	shalt  }

</sc_bundles>
